<compile_context>
chip_gen: v7x
topology: tpu7x:2x2x1
jax: 0.10.2.dev20260603
libtpu: 0.0.44.dev20260713+nightly
codegen_flags: <defaults>
</compile_context>

<pallas_src>
import functools

import jax
import jax.numpy as jnp
from jax import lax
from jax.experimental import pallas as pl
from jax.experimental.pallas import tpu as pltpu
from jax.experimental.pallas import tpu_sc as plsc


def _sc_gather(t, tab_a, tab_s):
    n = t.shape[0]
    info = plsc.get_sparse_core_info()
    nc, ns, nl = info.num_cores, info.num_subcores, info.num_lanes
    nw = nc * ns
    bpw = n // nw
    steps = tab_a.shape[0]
    mesh = plsc.VectorSubcoreMesh(core_axis_name="c", subcore_axis_name="s")

    @functools.partial(
        pl.kernel,
        mesh=mesh,
        compiler_params=pltpu.CompilerParams(needs_layout_passes=False),
        out_type=[
            jax.ShapeDtypeStruct((n,), jnp.float32),
            jax.ShapeDtypeStruct((n,), jnp.float32),
        ],
        scratch_types=[
            pltpu.VMEM((bpw,), jnp.int32),
            pltpu.VMEM((steps,), jnp.float32),
            pltpu.VMEM((steps,), jnp.float32),
            pltpu.VMEM((bpw,), jnp.float32),
            pltpu.VMEM((bpw,), jnp.float32),
            pltpu.SemaphoreType.DMA,
        ],
    )
    def gather_kernel(t_hbm, ta_hbm, ts_hbm, a_hbm, s_hbm,
                      idx_v, ta_v, ts_v, a_v, s_v, sem):
        wid = lax.axis_index("s") * nc + lax.axis_index("c")
        base = wid * bpw
        cp_idx = pltpu.async_copy(t_hbm.at[pl.ds(base, bpw)], idx_v, sem)
        cp_ta = pltpu.async_copy(ta_hbm, ta_v, sem)
        cp_ts = pltpu.async_copy(ts_hbm, ts_v, sem)
        cp_idx.wait()
        cp_ta.wait()
        cp_ts.wait()
        for i in range(bpw // nl):
            sl = pl.ds(i * nl, nl)
            idx = idx_v[sl]
            a_v[sl] = plsc.load_gather(ta_v, [idx])
            s_v[sl] = plsc.load_gather(ts_v, [idx])
        cp_a = pltpu.async_copy(a_v, a_hbm.at[pl.ds(base, bpw)], sem)
        cp_s = pltpu.async_copy(s_v, s_hbm.at[pl.ds(base, bpw)], sem)
        cp_a.wait()
        cp_s.wait()

    return gather_kernel(t, tab_a, tab_s)


def _tc_axpy(x0, noise, a, s):
    b, d = x0.shape
    br = 512

    def body(x0_ref, n_ref, a_ref, s_ref, o_ref):
        i = pl.program_id(0)
        sl = pl.ds(i * br, br)
        av = a_ref[sl].reshape(br, 1)
        sv = s_ref[sl].reshape(br, 1)
        o_ref[...] = av * x0_ref[...] + sv * n_ref[...]

    return pl.pallas_call(
        body,
        grid=(b // br,),
        in_specs=[
            pl.BlockSpec((br, d), lambda i: (i, 0)),
            pl.BlockSpec((br, d), lambda i: (i, 0)),
            pl.BlockSpec(memory_space=pltpu.VMEM),
            pl.BlockSpec(memory_space=pltpu.VMEM),
        ],
        out_specs=pl.BlockSpec((br, d), lambda i: (i, 0)),
        out_shape=jax.ShapeDtypeStruct((b, d), jnp.float32),
    )(x0, noise, a, s)


def kernel(x0, noise, t, sqrt_alphas_cumprod, sqrt_1m_alphas_cumprod):
    a, s = _sc_gather(t, sqrt_alphas_cumprod, sqrt_1m_alphas_cumprod)
    return _tc_axpy(x0, noise, a, s)

# --- scband reference (transcript-rebuilt; emitter-appended) ---
"""Pipeline reference for scband-diffusion-scheduler-68247030333776 (READ-ONLY COPY).

The authoritative reference and input builder live on the scoring server;
editing this copy changes nothing except your own understanding.
"""

import jax, jax.numpy as jnp
import numpy as np

NUM_STEPS = 1000
B = 16384
D = 2048


def _make_tables(steps=NUM_STEPS, s=0.008):
    t = np.linspace(0.0, steps, steps + 1, dtype=np.float64)
    alphas_cumprod = np.cos((t / steps + s) / (1.0 + s) * np.pi * 0.5) ** 2
    alphas_cumprod = alphas_cumprod / alphas_cumprod[0]
    betas = 1.0 - alphas_cumprod[1:] / alphas_cumprod[:-1]
    betas = np.clip(betas, 0.0, 0.999)
    ac = alphas_cumprod[:-1].astype(np.float32)
    sqrt_alphas_cumprod = np.sqrt(ac).astype(np.float32)
    sqrt_1m_alphas_cumprod = np.sqrt(1.0 - ac).astype(np.float32)
    return jnp.asarray(sqrt_alphas_cumprod), jnp.asarray(sqrt_1m_alphas_cumprod)


def setup_inputs(seed: int = 0) -> dict:
    key = jax.random.key(seed)
    k1, k2, k3 = jax.random.split(key, 3)
    x0 = jax.random.normal(k1, (B, D), dtype=jnp.float32)
    noise = jax.random.normal(k2, (B, D), dtype=jnp.float32)
    t = jax.random.randint(k3, (B,), 0, NUM_STEPS, dtype=jnp.int32)
    sqrt_a, sqrt_1ma = _make_tables()
    return {
        "x0": x0,
        "noise": noise,
        "t": t,
        "sqrt_alphas_cumprod": sqrt_a,
        "sqrt_1m_alphas_cumprod": sqrt_1ma,
    }


def reference(x0, noise, t, sqrt_alphas_cumprod, sqrt_1m_alphas_cumprod):
    # add_noise: gather per-timestep scale factors, then axpy
    a = jnp.take(sqrt_alphas_cumprod, t, axis=0).reshape(-1, 1)
    s = jnp.take(sqrt_1m_alphas_cumprod, t, axis=0).reshape(-1, 1)
    return a * x0 + s * noise

if __name__ == "__main__":
    import jax
    _d = setup_inputs()
    print(jax.jit(kernel)(*tuple(_d.values())))

</pallas_src>

<mosaic_0001>
#map = affine_map<(d0, d1) -> (0)>
module attributes {stable_mosaic.version = 14 : i64} {
  func.func @gather_kernel(%arg0: i32, %arg1: i32, %arg2: memref<16384xi32, #tpu.memory_space<hbm>>, %arg3: memref<1000xf32, #tpu.memory_space<hbm>>, %arg4: memref<1000xf32, #tpu.memory_space<hbm>>, %arg5: memref<16384xf32, #tpu.memory_space<hbm>>, %arg6: memref<16384xf32, #tpu.memory_space<hbm>>, %arg7: memref<512xi32, #tpu.memory_space<vmem>>, %arg8: memref<1000xf32, #tpu.memory_space<vmem>>, %arg9: memref<1000xf32, #tpu.memory_space<vmem>>, %arg10: memref<512xf32, #tpu.memory_space<vmem>>, %arg11: memref<512xf32, #tpu.memory_space<vmem>>, %arg12: memref<!tpu.dma_semaphore, #tpu.memory_space<semaphore_mem>>) attributes {dimension_semantics = [#tpu.dimension_semantics<core_parallel>, #tpu.dimension_semantics<subcore_parallel>], iteration_bounds = array<i64: 2, 16>, scalar_prefetch = 0 : i64, scratch_operands = 6 : i64, tpu.core_type = #tpu.core_type<sc_vector_subcore>, window_params = [{transform_indices = #map}, {transform_indices = #map}, {transform_indices = #map}, {transform_indices = #map}, {transform_indices = #map}]} {
    %mul3A = arith.constant 2 : i32
    %mul3A_0 = arith.muli %arg1, %mul3A : i32
    %add3A = arith.addi %mul3A_0, %arg0 : i32
    %mul3A_1 = arith.constant 512 : i32
    %mul3A_2 = arith.muli %add3A, %mul3A_1 : i32
    %dma_start3A = tpu.memref_slice %arg2[%mul3A_2] : memref<16384xi32, #tpu.memory_space<hbm>> -> memref<512xi32, #tpu.memory_space<hbm>>
    %dma_start3A_3 = tpu.memref_slice %arg2[%mul3A_2] : memref<16384xi32, #tpu.memory_space<hbm>> -> memref<512xi32, #tpu.memory_space<hbm>>
    tpu.enqueue_dma source(%dma_start3A_3 : memref<512xi32, #tpu.memory_space<hbm>>) target(%arg7 : memref<512xi32, #tpu.memory_space<vmem>>) target_semaphore(%arg12 : memref<!tpu.dma_semaphore, #tpu.memory_space<semaphore_mem>>)
    tpu.enqueue_dma source(%arg3 : memref<1000xf32, #tpu.memory_space<hbm>>) target(%arg8 : memref<1000xf32, #tpu.memory_space<vmem>>) target_semaphore(%arg12 : memref<!tpu.dma_semaphore, #tpu.memory_space<semaphore_mem>>)
    tpu.enqueue_dma source(%arg4 : memref<1000xf32, #tpu.memory_space<hbm>>) target(%arg9 : memref<1000xf32, #tpu.memory_space<vmem>>) target_semaphore(%arg12 : memref<!tpu.dma_semaphore, #tpu.memory_space<semaphore_mem>>)
    %dma_wait3A = tpu.memref_slice %arg2[%mul3A_2] : memref<16384xi32, #tpu.memory_space<hbm>> -> memref<512xi32, #tpu.memory_space<hbm>>
    %dma_wait3A_4 = tpu.memref_slice %arg2[%mul3A_2] : memref<16384xi32, #tpu.memory_space<hbm>> -> memref<512xi32, #tpu.memory_space<hbm>>
    tpu.wait_dma2 semaphore(%arg12 : memref<!tpu.dma_semaphore, #tpu.memory_space<semaphore_mem>>) src(%dma_wait3A_4 : memref<512xi32, #tpu.memory_space<hbm>>) dst(%arg7 : memref<512xi32, #tpu.memory_space<vmem>>)
    tpu.wait_dma2 semaphore(%arg12 : memref<!tpu.dma_semaphore, #tpu.memory_space<semaphore_mem>>) src(%arg3 : memref<1000xf32, #tpu.memory_space<hbm>>) dst(%arg8 : memref<1000xf32, #tpu.memory_space<vmem>>)
    tpu.wait_dma2 semaphore(%arg12 : memref<!tpu.dma_semaphore, #tpu.memory_space<semaphore_mem>>) src(%arg4 : memref<1000xf32, #tpu.memory_space<hbm>>) dst(%arg9 : memref<1000xf32, #tpu.memory_space<vmem>>)
    %get3A = arith.constant 0 : index
    %get3A_5 = tpu.vector_load %arg7[%get3A] {strides = array<i32>} : memref<512xi32, #tpu.memory_space<vmem>>, vector<16xi32>,
    %gather3A = tpu.vector_load_idx %arg8[%get3A_5] : memref<1000xf32, #tpu.memory_space<vmem>>[vector<16xi32>], vector<16xf32>,
    %swap3A = arith.constant 0 : index
    %swap3A_6 = tpu.vector_load %arg10[%swap3A] {strides = array<i32>} : memref<512xf32, #tpu.memory_space<vmem>>, vector<16xf32>,
    tpu.vector_store %arg10[%swap3A], %gather3A {strides = array<i32>} : memref<512xf32, #tpu.memory_space<vmem>>, vector<16xf32>,
    %gather3A_7 = tpu.vector_load_idx %arg9[%get3A_5] : memref<1000xf32, #tpu.memory_space<vmem>>[vector<16xi32>], vector<16xf32>,
    %swap3A_8 = arith.constant 0 : index
    %swap3A_9 = tpu.vector_load %arg11[%swap3A_8] {strides = array<i32>} : memref<512xf32, #tpu.memory_space<vmem>>, vector<16xf32>,
    tpu.vector_store %arg11[%swap3A_8], %gather3A_7 {strides = array<i32>} : memref<512xf32, #tpu.memory_space<vmem>>, vector<16xf32>,
    %get3A_10 = arith.constant 16 : index
    %get3A_11 = tpu.vector_load %arg7[%get3A_10] {strides = array<i32>} : memref<512xi32, #tpu.memory_space<vmem>>, vector<16xi32>,
    %gather3A_12 = tpu.vector_load_idx %arg8[%get3A_11] : memref<1000xf32, #tpu.memory_space<vmem>>[vector<16xi32>], vector<16xf32>,
    %swap3A_13 = arith.constant 16 : index
    %swap3A_14 = tpu.vector_load %arg10[%swap3A_13] {strides = array<i32>} : memref<512xf32, #tpu.memory_space<vmem>>, vector<16xf32>,
    tpu.vector_store %arg10[%swap3A_13], %gather3A_12 {strides = array<i32>} : memref<512xf32, #tpu.memory_space<vmem>>, vector<16xf32>,
    %gather3A_15 = tpu.vector_load_idx %arg9[%get3A_11] : memref<1000xf32, #tpu.memory_space<vmem>>[vector<16xi32>], vector<16xf32>,
    %swap3A_16 = arith.constant 16 : index
    %swap3A_17 = tpu.vector_load %arg11[%swap3A_16] {strides = array<i32>} : memref<512xf32, #tpu.memory_space<vmem>>, vector<16xf32>,
    tpu.vector_store %arg11[%swap3A_16], %gather3A_15 {strides = array<i32>} : memref<512xf32, #tpu.memory_space<vmem>>, vector<16xf32>,
    %get3A_18 = arith.constant 32 : index
    %get3A_19 = tpu.vector_load %arg7[%get3A_18] {strides = array<i32>} : memref<512xi32, #tpu.memory_space<vmem>>, vector<16xi32>,
    %gather3A_20 = tpu.vector_load_idx %arg8[%get3A_19] : memref<1000xf32, #tpu.memory_space<vmem>>[vector<16xi32>], vector<16xf32>,
    %swap3A_21 = arith.constant 32 : index
    %swap3A_22 = tpu.vector_load %arg10[%swap3A_21] {strides = array<i32>} : memref<512xf32, #tpu.memory_space<vmem>>, vector<16xf32>,
    tpu.vector_store %arg10[%swap3A_21], %gather3A_20 {strides = array<i32>} : memref<512xf32, #tpu.memory_space<vmem>>, vector<16xf32>,
    %gather3A_23 = tpu.vector_load_idx %arg9[%get3A_19] : memref<1000xf32, #tpu.memory_space<vmem>>[vector<16xi32>], vector<16xf32>,
    %swap3A_24 = arith.constant 32 : index
    %swap3A_25 = tpu.vector_load %arg11[%swap3A_24] {strides = array<i32>} : memref<512xf32, #tpu.memory_space<vmem>>, vector<16xf32>,
    tpu.vector_store %arg11[%swap3A_24], %gather3A_23 {strides = array<i32>} : memref<512xf32, #tpu.memory_space<vmem>>, vector<16xf32>,
    %get3A_26 = arith.constant 48 : index
    %get3A_27 = tpu.vector_load %arg7[%get3A_26] {strides = array<i32>} : memref<512xi32, #tpu.memory_space<vmem>>, vector<16xi32>,
    %gather3A_28 = tpu.vector_load_idx %arg8[%get3A_27] : memref<1000xf32, #tpu.memory_space<vmem>>[vector<16xi32>], vector<16xf32>,
    %swap3A_29 = arith.constant 48 : index
    %swap3A_30 = tpu.vector_load %arg10[%swap3A_29] {strides = array<i32>} : memref<512xf32, #tpu.memory_space<vmem>>, vector<16xf32>,
    tpu.vector_store %arg10[%swap3A_29], %gather3A_28 {strides = array<i32>} : memref<512xf32, #tpu.memory_space<vmem>>, vector<16xf32>,
    %gather3A_31 = tpu.vector_load_idx %arg9[%get3A_27] : memref<1000xf32, #tpu.memory_space<vmem>>[vector<16xi32>], vector<16xf32>,
    %swap3A_32 = arith.constant 48 : index
    %swap3A_33 = tpu.vector_load %arg11[%swap3A_32] {strides = array<i32>} : memref<512xf32, #tpu.memory_space<vmem>>, vector<16xf32>,
    tpu.vector_store %arg11[%swap3A_32], %gather3A_31 {strides = array<i32>} : memref<512xf32, #tpu.memory_space<vmem>>, vector<16xf32>,
    %get3A_34 = arith.constant 64 : index
    %get3A_35 = tpu.vector_load %arg7[%get3A_34] {strides = array<i32>} : memref<512xi32, #tpu.memory_space<vmem>>, vector<16xi32>,
    %gather3A_36 = tpu.vector_load_idx %arg8[%get3A_35] : memref<1000xf32, #tpu.memory_space<vmem>>[vector<16xi32>], vector<16xf32>,
    %swap3A_37 = arith.constant 64 : index
    %swap3A_38 = tpu.vector_load %arg10[%swap3A_37] {strides = array<i32>} : memref<512xf32, #tpu.memory_space<vmem>>, vector<16xf32>,
    tpu.vector_store %arg10[%swap3A_37], %gather3A_36 {strides = array<i32>} : memref<512xf32, #tpu.memory_space<vmem>>, vector<16xf32>,
    %gather3A_39 = tpu.vector_load_idx %arg9[%get3A_35] : memref<1000xf32, #tpu.memory_space<vmem>>[vector<16xi32>], vector<16xf32>,
    %swap3A_40 = arith.constant 64 : index
    %swap3A_41 = tpu.vector_load %arg11[%swap3A_40] {strides = array<i32>} : memref<512xf32, #tpu.memory_space<vmem>>, vector<16xf32>,
    tpu.vector_store %arg11[%swap3A_40], %gather3A_39 {strides = array<i32>} : memref<512xf32, #tpu.memory_space<vmem>>, vector<16xf32>,
    %get3A_42 = arith.constant 80 : index
    %get3A_43 = tpu.vector_load %arg7[%get3A_42] {strides = array<i32>} : memref<512xi32, #tpu.memory_space<vmem>>, vector<16xi32>,
    %gather3A_44 = tpu.vector_load_idx %arg8[%get3A_43] : memref<1000xf32, #tpu.memory_space<vmem>>[vector<16xi32>], vector<16xf32>,
    %swap3A_45 = arith.constant 80 : index
    %swap3A_46 = tpu.vector_load %arg10[%swap3A_45] {strides = array<i32>} : memref<512xf32, #tpu.memory_space<vmem>>, vector<16xf32>,
    tpu.vector_store %arg10[%swap3A_45], %gather3A_44 {strides = array<i32>} : memref<512xf32, #tpu.memory_space<vmem>>, vector<16xf32>,
    %gather3A_47 = tpu.vector_load_idx %arg9[%get3A_43] : memref<1000xf32, #tpu.memory_space<vmem>>[vector<16xi32>], vector<16xf32>,
    %swap3A_48 = arith.constant 80 : index
    %swap3A_49 = tpu.vector_load %arg11[%swap3A_48] {strides = array<i32>} : memref<512xf32, #tpu.memory_space<vmem>>, vector<16xf32>,
    tpu.vector_store %arg11[%swap3A_48], %gather3A_47 {strides = array<i32>} : memref<512xf32, #tpu.memory_space<vmem>>, vector<16xf32>,
    %get3A_50 = arith.constant 96 : index
    %get3A_51 = tpu.vector_load %arg7[%get3A_50] {strides = array<i32>} : memref<512xi32, #tpu.memory_space<vmem>>, vector<16xi32>,
    %gather3A_52 = tpu.vector_load_idx %arg8[%get3A_51] : memref<1000xf32, #tpu.memory_space<vmem>>[vector<16xi32>], vector<16xf32>,
    %swap3A_53 = arith.constant 96 : index
    %swap3A_54 = tpu.vector_load %arg10[%swap3A_53] {strides = array<i32>} : memref<512xf32, #tpu.memory_space<vmem>>, vector<16xf32>,
    tpu.vector_store %arg10[%swap3A_53], %gather3A_52 {strides = array<i32>} : memref<512xf32, #tpu.memory_space<vmem>>, vector<16xf32>,
    %gather3A_55 = tpu.vector_load_idx %arg9[%get3A_51] : memref<1000xf32, #tpu.memory_space<vmem>>[vector<16xi32>], vector<16xf32>,
    %swap3A_56 = arith.constant 96 : index
    %swap3A_57 = tpu.vector_load %arg11[%swap3A_56] {strides = array<i32>} : memref<512xf32, #tpu.memory_space<vmem>>, vector<16xf32>,
    tpu.vector_store %arg11[%swap3A_56], %gather3A_55 {strides = array<i32>} : memref<512xf32, #tpu.memory_space<vmem>>, vector<16xf32>,
    %get3A_58 = arith.constant 112 : index
    %get3A_59 = tpu.vector_load %arg7[%get3A_58] {strides = array<i32>} : memref<512xi32, #tpu.memory_space<vmem>>, vector<16xi32>,
    %gather3A_60 = tpu.vector_load_idx %arg8[%get3A_59] : memref<1000xf32, #tpu.memory_space<vmem>>[vector<16xi32>], vector<16xf32>,
    %swap3A_61 = arith.constant 112 : index
    %swap3A_62 = tpu.vector_load %arg10[%swap3A_61] {strides = array<i32>} : memref<512xf32, #tpu.memory_space<vmem>>, vector<16xf32>,
    tpu.vector_store %arg10[%swap3A_61], %gather3A_60 {strides = array<i32>} : memref<512xf32, #tpu.memory_space<vmem>>, vector<16xf32>,
    %gather3A_63 = tpu.vector_load_idx %arg9[%get3A_59] : memref<1000xf32, #tpu.memory_space<vmem>>[vector<16xi32>], vector<16xf32>,
    %swap3A_64 = arith.constant 112 : index
    %swap3A_65 = tpu.vector_load %arg11[%swap3A_64] {strides = array<i32>} : memref<512xf32, #tpu.memory_space<vmem>>, vector<16xf32>,
    tpu.vector_store %arg11[%swap3A_64], %gather3A_63 {strides = array<i32>} : memref<512xf32, #tpu.memory_space<vmem>>, vector<16xf32>,
    %get3A_66 = arith.constant 128 : index
    %get3A_67 = tpu.vector_load %arg7[%get3A_66] {strides = array<i32>} : memref<512xi32, #tpu.memory_space<vmem>>, vector<16xi32>,
    %gather3A_68 = tpu.vector_load_idx %arg8[%get3A_67] : memref<1000xf32, #tpu.memory_space<vmem>>[vector<16xi32>], vector<16xf32>,
    %swap3A_69 = arith.constant 128 : index
    %swap3A_70 = tpu.vector_load %arg10[%swap3A_69] {strides = array<i32>} : memref<512xf32, #tpu.memory_space<vmem>>, vector<16xf32>,
    tpu.vector_store %arg10[%swap3A_69], %gather3A_68 {strides = array<i32>} : memref<512xf32, #tpu.memory_space<vmem>>, vector<16xf32>,
    %gather3A_71 = tpu.vector_load_idx %arg9[%get3A_67] : memref<1000xf32, #tpu.memory_space<vmem>>[vector<16xi32>], vector<16xf32>,
    %swap3A_72 = arith.constant 128 : index
    %swap3A_73 = tpu.vector_load %arg11[%swap3A_72] {strides = array<i32>} : memref<512xf32, #tpu.memory_space<vmem>>, vector<16xf32>,
    tpu.vector_store %arg11[%swap3A_72], %gather3A_71 {strides = array<i32>} : memref<512xf32, #tpu.memory_space<vmem>>, vector<16xf32>,
    %get3A_74 = arith.constant 144 : index
    %get3A_75 = tpu.vector_load %arg7[%get3A_74] {strides = array<i32>} : memref<512xi32, #tpu.memory_space<vmem>>, vector<16xi32>,
    %gather3A_76 = tpu.vector_load_idx %arg8[%get3A_75] : memref<1000xf32, #tpu.memory_space<vmem>>[vector<16xi32>], vector<16xf32>,
    %swap3A_77 = arith.constant 144 : index
    %swap3A_78 = tpu.vector_load %arg10[%swap3A_77] {strides = array<i32>} : memref<512xf32, #tpu.memory_space<vmem>>, vector<16xf32>,
    tpu.vector_store %arg10[%swap3A_77], %gather3A_76 {strides = array<i32>} : memref<512xf32, #tpu.memory_space<vmem>>, vector<16xf32>,
    %gather3A_79 = tpu.vector_load_idx %arg9[%get3A_75] : memref<1000xf32, #tpu.memory_space<vmem>>[vector<16xi32>], vector<16xf32>,
    %swap3A_80 = arith.constant 144 : index
    %swap3A_81 = tpu.vector_load %arg11[%swap3A_80] {strides = array<i32>} : memref<512xf32, #tpu.memory_space<vmem>>, vector<16xf32>,
    tpu.vector_store %arg11[%swap3A_80], %gather3A_79 {strides = array<i32>} : memref<512xf32, #tpu.memory_space<vmem>>, vector<16xf32>,
    %get3A_82 = arith.constant 160 : index
    %get3A_83 = tpu.vector_load %arg7[%get3A_82] {strides = array<i32>} : memref<512xi32, #tpu.memory_space<vmem>>, vector<16xi32>,
    %gather3A_84 = tpu.vector_load_idx %arg8[%get3A_83] : memref<1000xf32, #tpu.memory_space<vmem>>[vector<16xi32>], vector<16xf32>,
    %swap3A_85 = arith.constant 160 : index
    %swap3A_86 = tpu.vector_load %arg10[%swap3A_85] {strides = array<i32>} : memref<512xf32, #tpu.memory_space<vmem>>, vector<16xf32>,
    tpu.vector_store %arg10[%swap3A_85], %gather3A_84 {strides = array<i32>} : memref<512xf32, #tpu.memory_space<vmem>>, vector<16xf32>,
    %gather3A_87 = tpu.vector_load_idx %arg9[%get3A_83] : memref<1000xf32, #tpu.memory_space<vmem>>[vector<16xi32>], vector<16xf32>,
    %swap3A_88 = arith.constant 160 : index
    %swap3A_89 = tpu.vector_load %arg11[%swap3A_88] {strides = array<i32>} : memref<512xf32, #tpu.memory_space<vmem>>, vector<16xf32>,
    tpu.vector_store %arg11[%swap3A_88], %gather3A_87 {strides = array<i32>} : memref<512xf32, #tpu.memory_space<vmem>>, vector<16xf32>,
    %get3A_90 = arith.constant 176 : index
    %get3A_91 = tpu.vector_load %arg7[%get3A_90] {strides = array<i32>} : memref<512xi32, #tpu.memory_space<vmem>>, vector<16xi32>,
    %gather3A_92 = tpu.vector_load_idx %arg8[%get3A_91] : memref<1000xf32, #tpu.memory_space<vmem>>[vector<16xi32>], vector<16xf32>,
    %swap3A_93 = arith.constant 176 : index
    %swap3A_94 = tpu.vector_load %arg10[%swap3A_93] {strides = array<i32>} : memref<512xf32, #tpu.memory_space<vmem>>, vector<16xf32>,
    tpu.vector_store %arg10[%swap3A_93], %gather3A_92 {strides = array<i32>} : memref<512xf32, #tpu.memory_space<vmem>>, vector<16xf32>,
    %gather3A_95 = tpu.vector_load_idx %arg9[%get3A_91] : memref<1000xf32, #tpu.memory_space<vmem>>[vector<16xi32>], vector<16xf32>,
    %swap3A_96 = arith.constant 176 : index
    %swap3A_97 = tpu.vector_load %arg11[%swap3A_96] {strides = array<i32>} : memref<512xf32, #tpu.memory_space<vmem>>, vector<16xf32>,
    tpu.vector_store %arg11[%swap3A_96], %gather3A_95 {strides = array<i32>} : memref<512xf32, #tpu.memory_space<vmem>>, vector<16xf32>,
    %get3A_98 = arith.constant 192 : index
    %get3A_99 = tpu.vector_load %arg7[%get3A_98] {strides = array<i32>} : memref<512xi32, #tpu.memory_space<vmem>>, vector<16xi32>,
    %gather3A_100 = tpu.vector_load_idx %arg8[%get3A_99] : memref<1000xf32, #tpu.memory_space<vmem>>[vector<16xi32>], vector<16xf32>,
    %swap3A_101 = arith.constant 192 : index
    %swap3A_102 = tpu.vector_load %arg10[%swap3A_101] {strides = array<i32>} : memref<512xf32, #tpu.memory_space<vmem>>, vector<16xf32>,
    tpu.vector_store %arg10[%swap3A_101], %gather3A_100 {strides = array<i32>} : memref<512xf32, #tpu.memory_space<vmem>>, vector<16xf32>,
    %gather3A_103 = tpu.vector_load_idx %arg9[%get3A_99] : memref<1000xf32, #tpu.memory_space<vmem>>[vector<16xi32>], vector<16xf32>,
    %swap3A_104 = arith.constant 192 : index
    %swap3A_105 = tpu.vector_load %arg11[%swap3A_104] {strides = array<i32>} : memref<512xf32, #tpu.memory_space<vmem>>, vector<16xf32>,
    tpu.vector_store %arg11[%swap3A_104], %gather3A_103 {strides = array<i32>} : memref<512xf32, #tpu.memory_space<vmem>>, vector<16xf32>,
    %get3A_106 = arith.constant 208 : index
    %get3A_107 = tpu.vector_load %arg7[%get3A_106] {strides = array<i32>} : memref<512xi32, #tpu.memory_space<vmem>>, vector<16xi32>,
    %gather3A_108 = tpu.vector_load_idx %arg8[%get3A_107] : memref<1000xf32, #tpu.memory_space<vmem>>[vector<16xi32>], vector<16xf32>,
    %swap3A_109 = arith.constant 208 : index
    %swap3A_110 = tpu.vector_load %arg10[%swap3A_109] {strides = array<i32>} : memref<512xf32, #tpu.memory_space<vmem>>, vector<16xf32>,
    tpu.vector_store %arg10[%swap3A_109], %gather3A_108 {strides = array<i32>} : memref<512xf32, #tpu.memory_space<vmem>>, vector<16xf32>,
    %gather3A_111 = tpu.vector_load_idx %arg9[%get3A_107] : memref<1000xf32, #tpu.memory_space<vmem>>[vector<16xi32>], vector<16xf32>,
    %swap3A_112 = arith.constant 208 : index
    %swap3A_113 = tpu.vector_load %arg11[%swap3A_112] {strides = array<i32>} : memref<512xf32, #tpu.memory_space<vmem>>, vector<16xf32>,
    tpu.vector_store %arg11[%swap3A_112], %gather3A_111 {strides = array<i32>} : memref<512xf32, #tpu.memory_space<vmem>>, vector<16xf32>,
    %get3A_114 = arith.constant 224 : index
    %get3A_115 = tpu.vector_load %arg7[%get3A_114] {strides = array<i32>} : memref<512xi32, #tpu.memory_space<vmem>>, vector<16xi32>,
    %gather3A_116 = tpu.vector_load_idx %arg8[%get3A_115] : memref<1000xf32, #tpu.memory_space<vmem>>[vector<16xi32>], vector<16xf32>,
    %swap3A_117 = arith.constant 224 : index
    %swap3A_118 = tpu.vector_load %arg10[%swap3A_117] {strides = array<i32>} : memref<512xf32, #tpu.memory_space<vmem>>, vector<16xf32>,
    tpu.vector_store %arg10[%swap3A_117], %gather3A_116 {strides = array<i32>} : memref<512xf32, #tpu.memory_space<vmem>>, vector<16xf32>,
    %gather3A_119 = tpu.vector_load_idx %arg9[%get3A_115] : memref<1000xf32, #tpu.memory_space<vmem>>[vector<16xi32>], vector<16xf32>,
    %swap3A_120 = arith.constant 224 : index
    %swap3A_121 = tpu.vector_load %arg11[%swap3A_120] {strides = array<i32>} : memref<512xf32, #tpu.memory_space<vmem>>, vector<16xf32>,
    tpu.vector_store %arg11[%swap3A_120], %gather3A_119 {strides = array<i32>} : memref<512xf32, #tpu.memory_space<vmem>>, vector<16xf32>,
    %get3A_122 = arith.constant 240 : index
    %get3A_123 = tpu.vector_load %arg7[%get3A_122] {strides = array<i32>} : memref<512xi32, #tpu.memory_space<vmem>>, vector<16xi32>,
    %gather3A_124 = tpu.vector_load_idx %arg8[%get3A_123] : memref<1000xf32, #tpu.memory_space<vmem>>[vector<16xi32>], vector<16xf32>,
    %swap3A_125 = arith.constant 240 : index
    %swap3A_126 = tpu.vector_load %arg10[%swap3A_125] {strides = array<i32>} : memref<512xf32, #tpu.memory_space<vmem>>, vector<16xf32>,
    tpu.vector_store %arg10[%swap3A_125], %gather3A_124 {strides = array<i32>} : memref<512xf32, #tpu.memory_space<vmem>>, vector<16xf32>,
    %gather3A_127 = tpu.vector_load_idx %arg9[%get3A_123] : memref<1000xf32, #tpu.memory_space<vmem>>[vector<16xi32>], vector<16xf32>,
    %swap3A_128 = arith.constant 240 : index
    %swap3A_129 = tpu.vector_load %arg11[%swap3A_128] {strides = array<i32>} : memref<512xf32, #tpu.memory_space<vmem>>, vector<16xf32>,
    tpu.vector_store %arg11[%swap3A_128], %gather3A_127 {strides = array<i32>} : memref<512xf32, #tpu.memory_space<vmem>>, vector<16xf32>,
    %get3A_130 = arith.constant 256 : index
    %get3A_131 = tpu.vector_load %arg7[%get3A_130] {strides = array<i32>} : memref<512xi32, #tpu.memory_space<vmem>>, vector<16xi32>,
    %gather3A_132 = tpu.vector_load_idx %arg8[%get3A_131] : memref<1000xf32, #tpu.memory_space<vmem>>[vector<16xi32>], vector<16xf32>,
    %swap3A_133 = arith.constant 256 : index
    %swap3A_134 = tpu.vector_load %arg10[%swap3A_133] {strides = array<i32>} : memref<512xf32, #tpu.memory_space<vmem>>, vector<16xf32>,
    tpu.vector_store %arg10[%swap3A_133], %gather3A_132 {strides = array<i32>} : memref<512xf32, #tpu.memory_space<vmem>>, vector<16xf32>,
    %gather3A_135 = tpu.vector_load_idx %arg9[%get3A_131] : memref<1000xf32, #tpu.memory_space<vmem>>[vector<16xi32>], vector<16xf32>,
    %swap3A_136 = arith.constant 256 : index
    %swap3A_137 = tpu.vector_load %arg11[%swap3A_136] {strides = array<i32>} : memref<512xf32, #tpu.memory_space<vmem>>, vector<16xf32>,
    tpu.vector_store %arg11[%swap3A_136], %gather3A_135 {strides = array<i32>} : memref<512xf32, #tpu.memory_space<vmem>>, vector<16xf32>,
    %get3A_138 = arith.constant 272 : index
    %get3A_139 = tpu.vector_load %arg7[%get3A_138] {strides = array<i32>} : memref<512xi32, #tpu.memory_space<vmem>>, vector<16xi32>,
    %gather3A_140 = tpu.vector_load_idx %arg8[%get3A_139] : memref<1000xf32, #tpu.memory_space<vmem>>[vector<16xi32>], vector<16xf32>,
    %swap3A_141 = arith.constant 272 : index
    %swap3A_142 = tpu.vector_load %arg10[%swap3A_141] {strides = array<i32>} : memref<512xf32, #tpu.memory_space<vmem>>, vector<16xf32>,
    tpu.vector_store %arg10[%swap3A_141], %gather3A_140 {strides = array<i32>} : memref<512xf32, #tpu.memory_space<vmem>>, vector<16xf32>,
    %gather3A_143 = tpu.vector_load_idx %arg9[%get3A_139] : memref<1000xf32, #tpu.memory_space<vmem>>[vector<16xi32>], vector<16xf32>,
    %swap3A_144 = arith.constant 272 : index
    %swap3A_145 = tpu.vector_load %arg11[%swap3A_144] {strides = array<i32>} : memref<512xf32, #tpu.memory_space<vmem>>, vector<16xf32>,
    tpu.vector_store %arg11[%swap3A_144], %gather3A_143 {strides = array<i32>} : memref<512xf32, #tpu.memory_space<vmem>>, vector<16xf32>,
    %get3A_146 = arith.constant 288 : index
    %get3A_147 = tpu.vector_load %arg7[%get3A_146] {strides = array<i32>} : memref<512xi32, #tpu.memory_space<vmem>>, vector<16xi32>,
    %gather3A_148 = tpu.vector_load_idx %arg8[%get3A_147] : memref<1000xf32, #tpu.memory_space<vmem>>[vector<16xi32>], vector<16xf32>,
    %swap3A_149 = arith.constant 288 : index
    %swap3A_150 = tpu.vector_load %arg10[%swap3A_149] {strides = array<i32>} : memref<512xf32, #tpu.memory_space<vmem>>, vector<16xf32>,
    tpu.vector_store %arg10[%swap3A_149], %gather3A_148 {strides = array<i32>} : memref<512xf32, #tpu.memory_space<vmem>>, vector<16xf32>,
    %gather3A_151 = tpu.vector_load_idx %arg9[%get3A_147] : memref<1000xf32, #tpu.memory_space<vmem>>[vector<16xi32>], vector<16xf32>,
    %swap3A_152 = arith.constant 288 : index
    %swap3A_153 = tpu.vector_load %arg11[%swap3A_152] {strides = array<i32>} : memref<512xf32, #tpu.memory_space<vmem>>, vector<16xf32>,
    tpu.vector_store %arg11[%swap3A_152], %gather3A_151 {strides = array<i32>} : memref<512xf32, #tpu.memory_space<vmem>>, vector<16xf32>,
    %get3A_154 = arith.constant 304 : index
    %get3A_155 = tpu.vector_load %arg7[%get3A_154] {strides = array<i32>} : memref<512xi32, #tpu.memory_space<vmem>>, vector<16xi32>,
    %gather3A_156 = tpu.vector_load_idx %arg8[%get3A_155] : memref<1000xf32, #tpu.memory_space<vmem>>[vector<16xi32>], vector<16xf32>,
    %swap3A_157 = arith.constant 304 : index
    %swap3A_158 = tpu.vector_load %arg10[%swap3A_157] {strides = array<i32>} : memref<512xf32, #tpu.memory_space<vmem>>, vector<16xf32>,
    tpu.vector_store %arg10[%swap3A_157], %gather3A_156 {strides = array<i32>} : memref<512xf32, #tpu.memory_space<vmem>>, vector<16xf32>,
    %gather3A_159 = tpu.vector_load_idx %arg9[%get3A_155] : memref<1000xf32, #tpu.memory_space<vmem>>[vector<16xi32>], vector<16xf32>,
    %swap3A_160 = arith.constant 304 : index
    %swap3A_161 = tpu.vector_load %arg11[%swap3A_160] {strides = array<i32>} : memref<512xf32, #tpu.memory_space<vmem>>, vector<16xf32>,
    tpu.vector_store %arg11[%swap3A_160], %gather3A_159 {strides = array<i32>} : memref<512xf32, #tpu.memory_space<vmem>>, vector<16xf32>,
    %get3A_162 = arith.constant 320 : index
    %get3A_163 = tpu.vector_load %arg7[%get3A_162] {strides = array<i32>} : memref<512xi32, #tpu.memory_space<vmem>>, vector<16xi32>,
    %gather3A_164 = tpu.vector_load_idx %arg8[%get3A_163] : memref<1000xf32, #tpu.memory_space<vmem>>[vector<16xi32>], vector<16xf32>,
    %swap3A_165 = arith.constant 320 : index
    %swap3A_166 = tpu.vector_load %arg10[%swap3A_165] {strides = array<i32>} : memref<512xf32, #tpu.memory_space<vmem>>, vector<16xf32>,
    tpu.vector_store %arg10[%swap3A_165], %gather3A_164 {strides = array<i32>} : memref<512xf32, #tpu.memory_space<vmem>>, vector<16xf32>,
    %gather3A_167 = tpu.vector_load_idx %arg9[%get3A_163] : memref<1000xf32, #tpu.memory_space<vmem>>[vector<16xi32>], vector<16xf32>,
    %swap3A_168 = arith.constant 320 : index
    %swap3A_169 = tpu.vector_load %arg11[%swap3A_168] {strides = array<i32>} : memref<512xf32, #tpu.memory_space<vmem>>, vector<16xf32>,
    tpu.vector_store %arg11[%swap3A_168], %gather3A_167 {strides = array<i32>} : memref<512xf32, #tpu.memory_space<vmem>>, vector<16xf32>,
    %get3A_170 = arith.constant 336 : index
    %get3A_171 = tpu.vector_load %arg7[%get3A_170] {strides = array<i32>} : memref<512xi32, #tpu.memory_space<vmem>>, vector<16xi32>,
    %gather3A_172 = tpu.vector_load_idx %arg8[%get3A_171] : memref<1000xf32, #tpu.memory_space<vmem>>[vector<16xi32>], vector<16xf32>,
    %swap3A_173 = arith.constant 336 : index
    %swap3A_174 = tpu.vector_load %arg10[%swap3A_173] {strides = array<i32>} : memref<512xf32, #tpu.memory_space<vmem>>, vector<16xf32>,
    tpu.vector_store %arg10[%swap3A_173], %gather3A_172 {strides = array<i32>} : memref<512xf32, #tpu.memory_space<vmem>>, vector<16xf32>,
    %gather3A_175 = tpu.vector_load_idx %arg9[%get3A_171] : memref<1000xf32, #tpu.memory_space<vmem>>[vector<16xi32>], vector<16xf32>,
    %swap3A_176 = arith.constant 336 : index
    %swap3A_177 = tpu.vector_load %arg11[%swap3A_176] {strides = array<i32>} : memref<512xf32, #tpu.memory_space<vmem>>, vector<16xf32>,
    tpu.vector_store %arg11[%swap3A_176], %gather3A_175 {strides = array<i32>} : memref<512xf32, #tpu.memory_space<vmem>>, vector<16xf32>,
    %get3A_178 = arith.constant 352 : index
    %get3A_179 = tpu.vector_load %arg7[%get3A_178] {strides = array<i32>} : memref<512xi32, #tpu.memory_space<vmem>>, vector<16xi32>,
    %gather3A_180 = tpu.vector_load_idx %arg8[%get3A_179] : memref<1000xf32, #tpu.memory_space<vmem>>[vector<16xi32>], vector<16xf32>,
    %swap3A_181 = arith.constant 352 : index
    %swap3A_182 = tpu.vector_load %arg10[%swap3A_181] {strides = array<i32>} : memref<512xf32, #tpu.memory_space<vmem>>, vector<16xf32>,
    tpu.vector_store %arg10[%swap3A_181], %gather3A_180 {strides = array<i32>} : memref<512xf32, #tpu.memory_space<vmem>>, vector<16xf32>,
    %gather3A_183 = tpu.vector_load_idx %arg9[%get3A_179] : memref<1000xf32, #tpu.memory_space<vmem>>[vector<16xi32>], vector<16xf32>,
    %swap3A_184 = arith.constant 352 : index
    %swap3A_185 = tpu.vector_load %arg11[%swap3A_184] {strides = array<i32>} : memref<512xf32, #tpu.memory_space<vmem>>, vector<16xf32>,
    tpu.vector_store %arg11[%swap3A_184], %gather3A_183 {strides = array<i32>} : memref<512xf32, #tpu.memory_space<vmem>>, vector<16xf32>,
    %get3A_186 = arith.constant 368 : index
    %get3A_187 = tpu.vector_load %arg7[%get3A_186] {strides = array<i32>} : memref<512xi32, #tpu.memory_space<vmem>>, vector<16xi32>,
    %gather3A_188 = tpu.vector_load_idx %arg8[%get3A_187] : memref<1000xf32, #tpu.memory_space<vmem>>[vector<16xi32>], vector<16xf32>,
    %swap3A_189 = arith.constant 368 : index
    %swap3A_190 = tpu.vector_load %arg10[%swap3A_189] {strides = array<i32>} : memref<512xf32, #tpu.memory_space<vmem>>, vector<16xf32>,
    tpu.vector_store %arg10[%swap3A_189], %gather3A_188 {strides = array<i32>} : memref<512xf32, #tpu.memory_space<vmem>>, vector<16xf32>,
    %gather3A_191 = tpu.vector_load_idx %arg9[%get3A_187] : memref<1000xf32, #tpu.memory_space<vmem>>[vector<16xi32>], vector<16xf32>,
    %swap3A_192 = arith.constant 368 : index
    %swap3A_193 = tpu.vector_load %arg11[%swap3A_192] {strides = array<i32>} : memref<512xf32, #tpu.memory_space<vmem>>, vector<16xf32>,
    tpu.vector_store %arg11[%swap3A_192], %gather3A_191 {strides = array<i32>} : memref<512xf32, #tpu.memory_space<vmem>>, vector<16xf32>,
    %get3A_194 = arith.constant 384 : index
    %get3A_195 = tpu.vector_load %arg7[%get3A_194] {strides = array<i32>} : memref<512xi32, #tpu.memory_space<vmem>>, vector<16xi32>,
    %gather3A_196 = tpu.vector_load_idx %arg8[%get3A_195] : memref<1000xf32, #tpu.memory_space<vmem>>[vector<16xi32>], vector<16xf32>,
    %swap3A_197 = arith.constant 384 : index
    %swap3A_198 = tpu.vector_load %arg10[%swap3A_197] {strides = array<i32>} : memref<512xf32, #tpu.memory_space<vmem>>, vector<16xf32>,
    tpu.vector_store %arg10[%swap3A_197], %gather3A_196 {strides = array<i32>} : memref<512xf32, #tpu.memory_space<vmem>>, vector<16xf32>,
    %gather3A_199 = tpu.vector_load_idx %arg9[%get3A_195] : memref<1000xf32, #tpu.memory_space<vmem>>[vector<16xi32>], vector<16xf32>,
    %swap3A_200 = arith.constant 384 : index
    %swap3A_201 = tpu.vector_load %arg11[%swap3A_200] {strides = array<i32>} : memref<512xf32, #tpu.memory_space<vmem>>, vector<16xf32>,
    tpu.vector_store %arg11[%swap3A_200], %gather3A_199 {strides = array<i32>} : memref<512xf32, #tpu.memory_space<vmem>>, vector<16xf32>,
    %get3A_202 = arith.constant 400 : index
    %get3A_203 = tpu.vector_load %arg7[%get3A_202] {strides = array<i32>} : memref<512xi32, #tpu.memory_space<vmem>>, vector<16xi32>,
    %gather3A_204 = tpu.vector_load_idx %arg8[%get3A_203] : memref<1000xf32, #tpu.memory_space<vmem>>[vector<16xi32>], vector<16xf32>,
    %swap3A_205 = arith.constant 400 : index
    %swap3A_206 = tpu.vector_load %arg10[%swap3A_205] {strides = array<i32>} : memref<512xf32, #tpu.memory_space<vmem>>, vector<16xf32>,
    tpu.vector_store %arg10[%swap3A_205], %gather3A_204 {strides = array<i32>} : memref<512xf32, #tpu.memory_space<vmem>>, vector<16xf32>,
    %gather3A_207 = tpu.vector_load_idx %arg9[%get3A_203] : memref<1000xf32, #tpu.memory_space<vmem>>[vector<16xi32>], vector<16xf32>,
    %swap3A_208 = arith.constant 400 : index
    %swap3A_209 = tpu.vector_load %arg11[%swap3A_208] {strides = array<i32>} : memref<512xf32, #tpu.memory_space<vmem>>, vector<16xf32>,
    tpu.vector_store %arg11[%swap3A_208], %gather3A_207 {strides = array<i32>} : memref<512xf32, #tpu.memory_space<vmem>>, vector<16xf32>,
    %get3A_210 = arith.constant 416 : index
    %get3A_211 = tpu.vector_load %arg7[%get3A_210] {strides = array<i32>} : memref<512xi32, #tpu.memory_space<vmem>>, vector<16xi32>,
    %gather3A_212 = tpu.vector_load_idx %arg8[%get3A_211] : memref<1000xf32, #tpu.memory_space<vmem>>[vector<16xi32>], vector<16xf32>,
    %swap3A_213 = arith.constant 416 : index
    %swap3A_214 = tpu.vector_load %arg10[%swap3A_213] {strides = array<i32>} : memref<512xf32, #tpu.memory_space<vmem>>, vector<16xf32>,
    tpu.vector_store %arg10[%swap3A_213], %gather3A_212 {strides = array<i32>} : memref<512xf32, #tpu.memory_space<vmem>>, vector<16xf32>,
    %gather3A_215 = tpu.vector_load_idx %arg9[%get3A_211] : memref<1000xf32, #tpu.memory_space<vmem>>[vector<16xi32>], vector<16xf32>,
    %swap3A_216 = arith.constant 416 : index
    %swap3A_217 = tpu.vector_load %arg11[%swap3A_216] {strides = array<i32>} : memref<512xf32, #tpu.memory_space<vmem>>, vector<16xf32>,
    tpu.vector_store %arg11[%swap3A_216], %gather3A_215 {strides = array<i32>} : memref<512xf32, #tpu.memory_space<vmem>>, vector<16xf32>,
    %get3A_218 = arith.constant 432 : index
    %get3A_219 = tpu.vector_load %arg7[%get3A_218] {strides = array<i32>} : memref<512xi32, #tpu.memory_space<vmem>>, vector<16xi32>,
    %gather3A_220 = tpu.vector_load_idx %arg8[%get3A_219] : memref<1000xf32, #tpu.memory_space<vmem>>[vector<16xi32>], vector<16xf32>,
    %swap3A_221 = arith.constant 432 : index
    %swap3A_222 = tpu.vector_load %arg10[%swap3A_221] {strides = array<i32>} : memref<512xf32, #tpu.memory_space<vmem>>, vector<16xf32>,
    tpu.vector_store %arg10[%swap3A_221], %gather3A_220 {strides = array<i32>} : memref<512xf32, #tpu.memory_space<vmem>>, vector<16xf32>,
    %gather3A_223 = tpu.vector_load_idx %arg9[%get3A_219] : memref<1000xf32, #tpu.memory_space<vmem>>[vector<16xi32>], vector<16xf32>,
    %swap3A_224 = arith.constant 432 : index
    %swap3A_225 = tpu.vector_load %arg11[%swap3A_224] {strides = array<i32>} : memref<512xf32, #tpu.memory_space<vmem>>, vector<16xf32>,
    tpu.vector_store %arg11[%swap3A_224], %gather3A_223 {strides = array<i32>} : memref<512xf32, #tpu.memory_space<vmem>>, vector<16xf32>,
    %get3A_226 = arith.constant 448 : index
    %get3A_227 = tpu.vector_load %arg7[%get3A_226] {strides = array<i32>} : memref<512xi32, #tpu.memory_space<vmem>>, vector<16xi32>,
    %gather3A_228 = tpu.vector_load_idx %arg8[%get3A_227] : memref<1000xf32, #tpu.memory_space<vmem>>[vector<16xi32>], vector<16xf32>,
    %swap3A_229 = arith.constant 448 : index
    %swap3A_230 = tpu.vector_load %arg10[%swap3A_229] {strides = array<i32>} : memref<512xf32, #tpu.memory_space<vmem>>, vector<16xf32>,
    tpu.vector_store %arg10[%swap3A_229], %gather3A_228 {strides = array<i32>} : memref<512xf32, #tpu.memory_space<vmem>>, vector<16xf32>,
    %gather3A_231 = tpu.vector_load_idx %arg9[%get3A_227] : memref<1000xf32, #tpu.memory_space<vmem>>[vector<16xi32>], vector<16xf32>,
    %swap3A_232 = arith.constant 448 : index
    %swap3A_233 = tpu.vector_load %arg11[%swap3A_232] {strides = array<i32>} : memref<512xf32, #tpu.memory_space<vmem>>, vector<16xf32>,
    tpu.vector_store %arg11[%swap3A_232], %gather3A_231 {strides = array<i32>} : memref<512xf32, #tpu.memory_space<vmem>>, vector<16xf32>,
    %get3A_234 = arith.constant 464 : index
    %get3A_235 = tpu.vector_load %arg7[%get3A_234] {strides = array<i32>} : memref<512xi32, #tpu.memory_space<vmem>>, vector<16xi32>,
    %gather3A_236 = tpu.vector_load_idx %arg8[%get3A_235] : memref<1000xf32, #tpu.memory_space<vmem>>[vector<16xi32>], vector<16xf32>,
    %swap3A_237 = arith.constant 464 : index
    %swap3A_238 = tpu.vector_load %arg10[%swap3A_237] {strides = array<i32>} : memref<512xf32, #tpu.memory_space<vmem>>, vector<16xf32>,
    tpu.vector_store %arg10[%swap3A_237], %gather3A_236 {strides = array<i32>} : memref<512xf32, #tpu.memory_space<vmem>>, vector<16xf32>,
    %gather3A_239 = tpu.vector_load_idx %arg9[%get3A_235] : memref<1000xf32, #tpu.memory_space<vmem>>[vector<16xi32>], vector<16xf32>,
    %swap3A_240 = arith.constant 464 : index
    %swap3A_241 = tpu.vector_load %arg11[%swap3A_240] {strides = array<i32>} : memref<512xf32, #tpu.memory_space<vmem>>, vector<16xf32>,
    tpu.vector_store %arg11[%swap3A_240], %gather3A_239 {strides = array<i32>} : memref<512xf32, #tpu.memory_space<vmem>>, vector<16xf32>,
    %get3A_242 = arith.constant 480 : index
    %get3A_243 = tpu.vector_load %arg7[%get3A_242] {strides = array<i32>} : memref<512xi32, #tpu.memory_space<vmem>>, vector<16xi32>,
    %gather3A_244 = tpu.vector_load_idx %arg8[%get3A_243] : memref<1000xf32, #tpu.memory_space<vmem>>[vector<16xi32>], vector<16xf32>,
    %swap3A_245 = arith.constant 480 : index
    %swap3A_246 = tpu.vector_load %arg10[%swap3A_245] {strides = array<i32>} : memref<512xf32, #tpu.memory_space<vmem>>, vector<16xf32>,
    tpu.vector_store %arg10[%swap3A_245], %gather3A_244 {strides = array<i32>} : memref<512xf32, #tpu.memory_space<vmem>>, vector<16xf32>,
    %gather3A_247 = tpu.vector_load_idx %arg9[%get3A_243] : memref<1000xf32, #tpu.memory_space<vmem>>[vector<16xi32>], vector<16xf32>,
    %swap3A_248 = arith.constant 480 : index
    %swap3A_249 = tpu.vector_load %arg11[%swap3A_248] {strides = array<i32>} : memref<512xf32, #tpu.memory_space<vmem>>, vector<16xf32>,
    tpu.vector_store %arg11[%swap3A_248], %gather3A_247 {strides = array<i32>} : memref<512xf32, #tpu.memory_space<vmem>>, vector<16xf32>,
    %get3A_250 = arith.constant 496 : index
    %get3A_251 = tpu.vector_load %arg7[%get3A_250] {strides = array<i32>} : memref<512xi32, #tpu.memory_space<vmem>>, vector<16xi32>,
    %gather3A_252 = tpu.vector_load_idx %arg8[%get3A_251] : memref<1000xf32, #tpu.memory_space<vmem>>[vector<16xi32>], vector<16xf32>,
    %swap3A_253 = arith.constant 496 : index
    %swap3A_254 = tpu.vector_load %arg10[%swap3A_253] {strides = array<i32>} : memref<512xf32, #tpu.memory_space<vmem>>, vector<16xf32>,
    tpu.vector_store %arg10[%swap3A_253], %gather3A_252 {strides = array<i32>} : memref<512xf32, #tpu.memory_space<vmem>>, vector<16xf32>,
    %gather3A_255 = tpu.vector_load_idx %arg9[%get3A_251] : memref<1000xf32, #tpu.memory_space<vmem>>[vector<16xi32>], vector<16xf32>,
    %swap3A_256 = arith.constant 496 : index
    %swap3A_257 = tpu.vector_load %arg11[%swap3A_256] {strides = array<i32>} : memref<512xf32, #tpu.memory_space<vmem>>, vector<16xf32>,
    tpu.vector_store %arg11[%swap3A_256], %gather3A_255 {strides = array<i32>} : memref<512xf32, #tpu.memory_space<vmem>>, vector<16xf32>,
    %dma_start3A_258 = tpu.memref_slice %arg5[%mul3A_2] : memref<16384xf32, #tpu.memory_space<hbm>> -> memref<512xf32, #tpu.memory_space<hbm>>
    %dma_start3A_259 = tpu.memref_slice %arg5[%mul3A_2] : memref<16384xf32, #tpu.memory_space<hbm>> -> memref<512xf32, #tpu.memory_space<hbm>>
    tpu.enqueue_dma source(%arg10 : memref<512xf32, #tpu.memory_space<vmem>>) target(%dma_start3A_259 : memref<512xf32, #tpu.memory_space<hbm>>) target_semaphore(%arg12 : memref<!tpu.dma_semaphore, #tpu.memory_space<semaphore_mem>>)
    %dma_start3A_260 = tpu.memref_slice %arg6[%mul3A_2] : memref<16384xf32, #tpu.memory_space<hbm>> -> memref<512xf32, #tpu.memory_space<hbm>>
    %dma_start3A_261 = tpu.memref_slice %arg6[%mul3A_2] : memref<16384xf32, #tpu.memory_space<hbm>> -> memref<512xf32, #tpu.memory_space<hbm>>
    tpu.enqueue_dma source(%arg11 : memref<512xf32, #tpu.memory_space<vmem>>) target(%dma_start3A_261 : memref<512xf32, #tpu.memory_space<hbm>>) target_semaphore(%arg12 : memref<!tpu.dma_semaphore, #tpu.memory_space<semaphore_mem>>)
    %dma_wait3A_262 = tpu.memref_slice %arg5[%mul3A_2] : memref<16384xf32, #tpu.memory_space<hbm>> -> memref<512xf32, #tpu.memory_space<hbm>>
    %dma_wait3A_263 = tpu.memref_slice %arg5[%mul3A_2] : memref<16384xf32, #tpu.memory_space<hbm>> -> memref<512xf32, #tpu.memory_space<hbm>>
    tpu.wait_dma2 semaphore(%arg12 : memref<!tpu.dma_semaphore, #tpu.memory_space<semaphore_mem>>) src(%arg10 : memref<512xf32, #tpu.memory_space<vmem>>) dst(%dma_wait3A_263 : memref<512xf32, #tpu.memory_space<hbm>>)
    %dma_wait3A_264 = tpu.memref_slice %arg6[%mul3A_2] : memref<16384xf32, #tpu.memory_space<hbm>> -> memref<512xf32, #tpu.memory_space<hbm>>
    %dma_wait3A_265 = tpu.memref_slice %arg6[%mul3A_2] : memref<16384xf32, #tpu.memory_space<hbm>> -> memref<512xf32, #tpu.memory_space<hbm>>
    tpu.wait_dma2 semaphore(%arg12 : memref<!tpu.dma_semaphore, #tpu.memory_space<semaphore_mem>>) src(%arg11 : memref<512xf32, #tpu.memory_space<vmem>>) dst(%dma_wait3A_265 : memref<512xf32, #tpu.memory_space<hbm>>)
    return
  }
}

module attributes {stable_mosaic.version = 14 : i64} {
  func.func @body(%arg0: i32, %arg1: memref<512x2048xf32, #tpu.memory_space<vmem>>, %arg2: memref<512x2048xf32, #tpu.memory_space<vmem>>, %arg3: memref<16384xf32, #tpu.memory_space<vmem>>, %arg4: memref<16384xf32, #tpu.memory_space<vmem>>, %arg5: memref<512x2048xf32, #tpu.memory_space<vmem>>) attributes {dimension_semantics = [#tpu.dimension_semantics<arbitrary>], iteration_bounds = array<i64: 32>, scalar_prefetch = 0 : i64, scratch_operands = 0 : i64, tpu.core_type = #tpu.core_type<tc>, window_params = [{transform_indices = @transform_0, window_bounds = array<i64: 512, 2048>}, {transform_indices = @transform_1, window_bounds = array<i64: 512, 2048>}, {pipeline_mode = #tpu.pipeline_mode<synchronous>, transform_indices = @transform_2, window_bounds = array<i64: 16384>}, {pipeline_mode = #tpu.pipeline_mode<synchronous>, transform_indices = @transform_3, window_bounds = array<i64: 16384>}, {transform_indices = @transform_4, window_bounds = array<i64: 512, 2048>}]} {
    %mul3A = arith.constant 512 : i32
    %mul3A_0 = arith.muli %arg0, %mul3A : i32
    %get3A = arith.index_cast %mul3A_0 : i32 to index
    %get3A_1 = vector.load %arg3[%get3A] : memref<16384xf32, #tpu.memory_space<vmem>>, vector<512xf32>
    %reshape3A = vector.shape_cast %get3A_1 : vector<512xf32> to vector<512x1xf32>
    %get3A_2 = arith.index_cast %mul3A_0 : i32 to index
    %get3A_3 = vector.load %arg4[%get3A_2] : memref<16384xf32, #tpu.memory_space<vmem>>, vector<512xf32>
    %reshape3A_4 = vector.shape_cast %get3A_3 : vector<512xf32> to vector<512x1xf32>
    %get3A_5 = arith.constant 0 : index
    %get3A_6 = arith.constant 0 : index
    %get3A_7 = vector.load %arg1[%get3A_5, %get3A_6] : memref<512x2048xf32, #tpu.memory_space<vmem>>, vector<512x2048xf32>
    %mul3A_8 = vector.broadcast %reshape3A : vector<512x1xf32> to vector<512x2048xf32>
    %mul3A_9 = arith.mulf %mul3A_8, %get3A_7 : vector<512x2048xf32>
    %get3A_10 = arith.constant 0 : index
    %get3A_11 = arith.constant 0 : index
    %get3A_12 = vector.load %arg2[%get3A_10, %get3A_11] : memref<512x2048xf32, #tpu.memory_space<vmem>>, vector<512x2048xf32>
    %mul3A_13 = vector.broadcast %reshape3A_4 : vector<512x1xf32> to vector<512x2048xf32>
    %mul3A_14 = arith.mulf %mul3A_13, %get3A_12 : vector<512x2048xf32>
    %add3A = arith.addf %mul3A_9, %mul3A_14 : vector<512x2048xf32>
    %swap3A = arith.constant 0 : index
    %swap3A_15 = arith.constant 0 : index
    %swap3A_16 = vector.load %arg5[%swap3A, %swap3A_15] : memref<512x2048xf32, #tpu.memory_space<vmem>>, vector<512x2048xf32>
    tpu.vector_store %arg5[%swap3A, %swap3A_15], %add3A {strides = array<i32>} : memref<512x2048xf32, #tpu.memory_space<vmem>>, vector<512x2048xf32>,
    return
  }
  func.func @transform_0(%arg0: i32) -> (i32, i32) {
    %c0_i32 = arith.constant 0 : i32
    %c0_i32_0 = arith.constant 0 : i32
    return %arg0, %c0_i32 : i32, i32
  }
  func.func @transform_1(%arg0: i32) -> (i32, i32) {
    %c0_i32 = arith.constant 0 : i32
    %c0_i32_0 = arith.constant 0 : i32
    return %arg0, %c0_i32 : i32, i32
  }
  func.func @transform_2(%arg0: i32) -> i32 {
    %c0_i32 = arith.constant 0 : i32
    %c0_i32_0 = arith.constant 0 : i32
    return %c0_i32 : i32
  }
  func.func @transform_3(%arg0: i32) -> i32 {
    %c0_i32 = arith.constant 0 : i32
    %c0_i32_0 = arith.constant 0 : i32
    return %c0_i32 : i32
  }
  func.func @transform_4(%arg0: i32) -> (i32, i32) {
    %c0_i32 = arith.constant 0 : i32
    %c0_i32_0 = arith.constant 0 : i32
    return %arg0, %c0_i32 : i32, i32
  }
}

</mosaic_0001>

<sc_bundles>
// kernel: kernel.4.cloned.1.call-start
scs
__scs_entry_jumppad:
0x0: {  	(pc) =	sbr.rel $0x88, $3  }
0x1: {  	(tag) =	ssettag $0x0;
	lr =	simm.s32 $0x1  }
0x2: {  	[smem:$0x3F9C] =	sst lr;
	_ =	strace $0xD0000000  }
0x3: {  	_ = 	snop  }
0x4: {  	_ = 	snop  }
0x5: {  	_ = 	snop  }
0x6: {  	_ = 	snop  }
0x7: {  	_ = 	snop  }
__scs_overlays_trampoline_lowered:
0x8: {  	[smem:$0x3FAB] =	sst s0  }
0x9: {  	[smem:$0x3FAC] =	sst s1  }
0xa: {  	[smem:$0x3FAD] =	sst s2  }
0xb: {  	[smem:$0x3FAE] =	sst s3  }
0xc: {  	[smem:$0x3FAF] =	sst s4  }
0xd: {  	[smem:$0x3FB0] =	sst s5  }
0xe: {  	[smem:$0x3FB1] =	sst s6  }
0xf: {  	[smem:$0x3FB2] =	sst s7  }
0x10: {  	[smem:$0x3FB3] =	sst s8  }
0x11: {  	[smem:$0x3FB4] =	sst s9;
	s0 =	simm.s32 @!p0 $0x0  }
0x12: {  	s1 =	sld [smem:$0x3F9A];
	s0 =	simm.s32 @p0 $0x1  }
0x13: {  	[smem:$0x3FB5] =	sst s0;
	s0 =	simm.s32 @!p1 $0x0  }
0x14: {  	s2 =	sld [smem:$0x3F99];
	s0 =	simm.s32 @p1 $0x1  }
0x15: {  	[smem:$0x3FB6] =	sst s0;
	s0 =	simm.s32 @!p2 $0x0  }
0x16: {  	s3 =	sld [smem:$0x3FDB];
	s0 =	simm.s32 @p2 $0x1  }
0x17: {  	s4 =	simm.s32 $0x1BF5;
	[smem:$0x3FB8] =	sst s0  }
0x18: {  	s0 =	sld [smem:$0x3F9B];
	_ =	swait.ge [sflag:s4], $0x0  }
0x19: {  	s7 =	sld [smem:$0x3F9C]  }
0x1a: {  	s8 =	sadd.s32 $0xFFFFE003, lr  }
0x1b: {  	s9 =	sadd.s32 $0xFFFFFEF7, lr;
	s5 =	simm.s32 $0xFFFFFFFF;
	p2 =	slt.u32 s8, $0xFFFFF086  }
0x1c: {  	p1 =	slt.u32 s9, $0xF7A;
	s5 =	simm.s32 @!p2 $0x0  }
0x1d: {  	s5 =	simm.s32 @p1 $0x1;
	p0 =	seq.s32 s7, s2  }
0x1e: {  	s7 =	smul.u32 @!p0 $0xF7A, s2;
	p2 =	seq.s32 @!p0 s5, $0x0  }
0x1f: {  	s9 =	smul.u32 $0xF7A, s1;
	s8 =	simm.s32 @!p0 $0x1BF5;
	p2 =	por !p2, p0  }
0x20: {  	[sflag:s8] =	ssyncset.s32 @!p0 $0xFFFFF086;
	s6 =	sadd.s32 @!p0 s3, s7;
	s7 =	simm.s32 @!p0 $0x108  }
0x21: {  	s3 =	sadd.s32 s3, s9;
	s6 =	sadd.s32 @!p0 $0x88, s6;
	s7 =	simm.s32 @p2 $0x1082  }
0x22: {  	[simem:s7], [sflag:s8] =	dma.local @!p0 [hbm:s6], $0xF7A  }
0x23: {  	s9 =	sor.u32 $0xD0000000, s2;
	s6 =	simm.s32 $0x108;
	_ =	swait.ge @!p0 [sflag:s8], $0x0  }
0x24: {  	s3 =	sadd.s32 $0x88, s3;
	s6 =	simm.s32 @!p1 $0x1082;
	[sflag:s4] =	ssyncset.s32 $0xFFFFF086  }
0x25: {  	[simem:s6], [sflag:s4] =	dma.local [hbm:s3], $0xF7A  }
0x26: {  	[smem:$0x3F9C] =	sst s1;
	(tag) =	ssettag s2;
	_ =	strace s9  }
0x27: {  	s1 =	sld [smem:$0x3FAC]  }
0x28: {  	s2 =	sld [smem:$0x3FAD]  }
0x29: {  	s4 =	sld [smem:$0x3FAF]  }
0x2a: {  	p0 =	seq.s32 s5, $0x0;
	s5 =	sld [smem:$0x3FB0]  }
0x2b: {  	s6 =	sld [smem:$0x3FB1]  }
0x2c: {  	s7 =	sld [smem:$0x3FB2]  }
0x2d: {  	s3 =	simm.s32 $0x108;
	s8 =	sld [smem:$0x3FB3]  }
0x2e: {  	s3 =	simm.s32 @!p0 $0x1082;
	s9 =	sld [smem:$0x3FB4]  }
0x2f: {  	lr =	sadd.s32 s0, s3;
	s0 =	sld [smem:$0x3FAB]  }
0x30: {  	s3 =	sld [smem:$0x3FAE]  }
0x31: {  	[smem:$0x3FB7] =	sst s10  }
0x32: {  	s10 =	sld [smem:$0x3FB5];
	_ =	sdelay $0x3  }
0x33: {  	p0 =	seq.s32 s10, $0x1;
	s10 =	sld [smem:$0x3FB7];
	_ =	sdelay $0x3  }
0x34: {  	[smem:$0x3FB7] =	sst s10  }
0x35: {  	s10 =	sld [smem:$0x3FB6];
	_ =	sdelay $0x3  }
0x36: {  	p1 =	seq.s32 s10, $0x1;
	s10 =	sld [smem:$0x3FB7];
	_ =	sdelay $0x3  }
0x37: {  	[smem:$0x3FB7] =	sst s10  }
0x38: {  	s10 =	sld [smem:$0x3FB8]  }
0x39: {  	_ = 	snop;
	(pc) =	sbr.ind lr, $3  }
0x3a: {  	_ = 	snop  }
0x3b: {  	_ = 	snop  }
0x3c: {  	p2 =	seq.s32 s10, $0x1;
	s10 =	sld [smem:$0x3FB7]  }
0x3d: {  	_ =	shalt  }
0x3e: {  	_ =	shalt  }
0x3f: {  	_ =	shalt  }
0x40: {  	_ =	shalt  }
0x41: {  	_ =	shalt  }
0x42: {  	_ =	shalt  }
0x43: {  	_ =	shalt  }
0x44: {  	_ =	shalt  }
0x45: {  	_ =	shalt  }
0x46: {  	_ =	shalt  }
0x47: {  	_ =	shalt  }
0x48: {  	_ =	shalt  }
0x49: {  	_ =	shalt  }
0x4a: {  	_ =	shalt  }
0x4b: {  	_ =	shalt  }
0x4c: {  	_ =	shalt  }
0x4d: {  	_ =	shalt  }
0x4e: {  	_ =	shalt  }
0x4f: {  	_ =	shalt  }
0x50: {  	_ =	shalt  }
0x51: {  	_ =	shalt  }
0x52: {  	_ =	shalt  }
0x53: {  	_ =	shalt  }
0x54: {  	_ =	shalt  }
0x55: {  	_ =	shalt  }
0x56: {  	_ =	shalt  }
0x57: {  	_ =	shalt  }
0x58: {  	_ =	shalt  }
0x59: {  	_ =	shalt  }
0x5a: {  	_ =	shalt  }
0x5b: {  	_ =	shalt  }
0x5c: {  	_ =	shalt  }
0x5d: {  	_ =	shalt  }
0x5e: {  	_ =	shalt  }
0x5f: {  	_ =	shalt  }
0x60: {  	_ =	shalt  }
0x61: {  	_ =	shalt  }
0x62: {  	_ =	shalt  }
0x63: {  	_ =	shalt  }
0x64: {  	_ =	shalt  }
0x65: {  	_ =	shalt  }
0x66: {  	_ =	shalt  }
0x67: {  	_ =	shalt  }
0x68: {  	_ =	shalt  }
0x69: {  	_ =	shalt  }
0x6a: {  	_ =	shalt  }
0x6b: {  	_ =	shalt  }
0x6c: {  	_ =	shalt  }
0x6d: {  	_ =	shalt  }
0x6e: {  	_ =	shalt  }
0x6f: {  	_ =	shalt  }
0x70: {  	_ =	shalt  }
0x71: {  	_ =	shalt  }
0x72: {  	_ =	shalt  }
0x73: {  	_ =	shalt  }
0x74: {  	_ =	shalt  }
0x75: {  	_ =	shalt  }
0x76: {  	_ =	shalt  }
0x77: {  	_ =	shalt  }
0x78: {  	_ =	shalt  }
0x79: {  	_ =	shalt  }
0x7a: {  	_ =	shalt  }
0x7b: {  	_ =	shalt  }
0x7c: {  	_ =	shalt  }
0x7d: {  	_ =	shalt  }
0x7e: {  	_ =	shalt  }
0x7f: {  	_ =	shalt  }
0x80: {  	_ =	shalt  }
0x81: {  	_ =	shalt  }
0x82: {  	_ =	shalt  }
0x83: {  	_ =	shalt  }
0x84: {  	_ =	shalt  }
0x85: {  	_ =	shalt  }
0x86: {  	_ =	shalt  }
0x87: {  	_ =	shalt  }
.Lfunc_end0:
.L_simem_size_0:
called_computation_lowered:
.L_overlay_start_0:
0x88: {  	s2 =	sld [smem:$0x3FD9]  }
0x89: {  	s3 =	sld [smem:$0x3FFE];
	_ =	sdelay $0x1  }
0x8a: {  	s1 =	srdreg.scid  }
0x8b: {  	s0 =	sand.u32 $0x1, s1  }
0x8c: {  	s17 =	sshll.u32 s0, $0xA;
	s2 =	sadd.s32 s3, s2  }
0x8d: {  	s2 =	sadd.s32 s2, s17  }
0x8e: {  	[smem:$0x3FC3] =	sst s2  }
0x8f: {  	_ = 	snop  }
0x90: {  	s2 =	sld [smem:$0x3FC7]  }
0x91: {  	s18 =	sld [smem:$0x3FC6]  }
0x92: {  	s4 =	sld [smem:$0x3FC5]  }
0x93: {  	s5 =	sld [smem:$0x3FD0];
	(tm) =	ssettm $0x1  }
0x94: {  	s6 =	sld [smem:$0x3FFB];
	_ =	sdelay $0x3  }
0x95: {  	_ =	strace s6  }
0x96: {  	s6 =	sld [smem:$0x3FFC];
	_ =	sdelay $0x3  }
0x97: {  	_ =	strace s6  }
0x98: {  	s6 =	sld [smem:$0x3FFD];
	_ =	sdelay $0x3  }
0x99: {  	_ =	strace s6  }
0x9a: {  	_ =	strace $0x8FFFFFFF  }
0x9b: {  	s19 =	sld [smem:$0x3FDB];
	_ =	sdelay $0x1  }
0x9c: {  	s7 =	simm.s32 $_scs_section_size  }
0x9d: {  	s8 =	simm.s32 $_size__tile_overlayer_lowered;
	s9 =	simm.s32 $_tile_overlayer_lowered  }
0x9e: {  	s22 =	simm.s32 $0x1BFF;
	s21 =	sshll.u32 s9, $0x1;
	s6 =	sadd.s32 s7, s19  }
0x9f: {  	s10 =	simm.s32 $0x0;
	s20 =	sshll.u32 s8, $0x1;
	s8 =	sadd.s32 s21, s6  }
0xa0: {  	[timem:s10], [sflag:s22] =	dma.local [hbm:s8], s20  }
0xa1: {  	_ =	swait.ge [sflag:s22], s20  }
0xa2: {  	s7 =	ssub.s32 $0x0, s20;
	[sflag:s22] =	ssyncset.done $0x0  }
0xa3: {  	[sflag:s22] =	ssyncadd.s32 s7;
	_ =	sdelay $0x1  }
0xa4: {  	s23 =	simm.s32 $0x1B8B  }
0xa5: {  	_ =	swait.ge [sflag:s23], $0x1  }
0xa6: {  	[sflag:s23] =	ssyncset.done $0x0  }
0xa7: {  	s25 =	simm.s32 $0x1B8E;
	s24 =	sld [smem:$0x3FFE];
	[sflag:s23] =	ssyncadd.s32 $0xFFFFFFFF  }
0xa8: {  	s26 =	simm.s32 $execute0_lowered;
	[smem:$0x3FD2] =	sst s25  }
0xa9: {  	s8 =	sshll.u32 s26, $0x1;
	_ =	strace $0x80000046;
	[dreg:$0x1] =	wrdreg $0xFFFFFFFF  }
0xaa: {  	s28 =	simm.s32 $_size_execute0_lowered;
	s6 =	sadd.s32 s6, s8;
	[dreg:$0x0] =	wrdreg $0x0  }
0xab: {  	s8 =	sshll.u32 s28, $0x1;
	[dreg:$0x2] =	wrdreg s6  }
0xac: {  	[dreg:$0x3] =	wrdreg s8  }
0xad: {  	[dreg:$0x4] =	wrdreg $0xC0  }
0xae: {  	_ =	task [dreg:s10], $0x5FFFF  }
0xaf: {  	[dreg:$0x1] =	wrdreg $0xFFFFFFFF  }
0xb0: {  	[dreg:$0x0] =	wrdreg $0x60  }
0xb1: {  	[dreg:$0x2] =	wrdreg s2  }
0xb2: {  	[dreg:$0x3] =	wrdreg s18  }
0xb3: {  	[dreg:$0x4] =	wrdreg s4  }
0xb4: {  	[dreg:$0x5] =	wrdreg s5  }
0xb5: {  	[dreg:$0x6] =	wrdreg s24  }
0xb6: {  	[dreg:$0x7] =	wrdreg $0x9  }
0xb7: {  	_ =	task.clear_ibuf [dreg:s10], $0x8FFFF;
	_ =	strace $0x90000046  }
0xb8: {  	s29 =	simm.s32 $0x9;
	_ =	strace $0x80000048  }
0xb9: {  	_ =	swait.ge [sflag:s29], $0x1  }
0xba: {  	[sflag:s29] =	ssyncadd.s32 $0xFFFFFFFF  }
0xbb: {  	_ =	strace $0x90000048  }
0xbc: {  	_ =	sfence  }
0xbd: {  	s30 =	sld [smem:$0x0];
	_ =	sdelay $0x2  }
0xbe: {  	s31 =	sshll.u32 s1, $0xD;
	s1 =	sshrl.u32 s1, $0x2  }
0xbf: {  	s3 =	sand.u32 $0x4000, s31;
	s1 =	sadd.s32 s1, s30  }
0xc0: {  	s0 =	sor.u32 s3, s0;
	s1 =	sshll.u32 s1, $0x11  }
0xc1: {  	s0 =	sor.u32 s1, s0  }
0xc2: {  	s0 =	sadd.s32 $0x8F2B, s0  }
0xc3: {  	[sflag:s0] =	ssyncadd.remote.s32 $0x1  }
0xc4: {  	_ =	sfence.sel $0xFFFF  }
0xc5: {  	[dreg:$0x0] =	wrdreg $0xFFFFFFFF;
	(pc) =	sbr.abs _section_cstart, $3  }
0xc6: {  	[dreg:$0x1] =	wrdreg $0xFFFFFFFF  }
0xc7: {  	_ =	task.clear_ibuf [dreg:s10], $0x2FFFF;
	_ =	strace $0x9FFFFFFF  }
0xc8: {  	(tm) =	ssettm $0x7FFFFFFF  }
0xc9: {  	_ =	shalt  }
tec
execute0_lowered:
.L_overlay_start_1:
0x0: {  	(tag) =	ssettag $0x1  }
0x1: {  	s5 =	rddreg [dreg:$0x0]  }
0x2: {  	s1 =	rddreg [dreg:$0x1]  }
0x3: {  	s2 =	rddreg [dreg:$0x2]  }
0x4: {  	s6 =	rddreg [dreg:$0x3]  }
0x5: {  	s7 =	rddreg [dreg:$0x4]  }
0x6: {  	s0 =	rddreg [dreg:$0x5];
	s8 =	srdreg.scid  }
0x7: {  	s4 =	simm.s32 $0x0;
	s3 =	stileid.u32;
	s11 =	simm.s32 $0x1  }
0x8: {  	s12 =	simm.s32 $0xA00;
	s13 =	simm.s32 $0xC00;
	s8 =	sand.u32 $0x1, s8  }
0x9: {  	s9 =	sshll.u32 s3, $0x7;
	[smem:$0x7FF] =	sst s4;
	s10 =	sshll.u32 s8, $0x6  }
0xa: {  	s8 =	ssub.s32 $0x2, s8;
	_ =	strace $0x80000047;
	s9 =	sor.u32 s10, s9  }
0xb: {  	s31 =	sshrl.u32 s8, $0x1;
	s10 =	simm.s32 $0x600;
	s7 =	sadd.s32 s9, s7  }
0xc: {  	s8 =	ssub.s32 s8, s31;
	s5 =	sadd.s32 s5, s9;
	s6 =	sadd.s32 s6, s9  }
0xd: {  	s9 =	simm.s32 $0x200;
	s7 =	sadd.s32 $0xC00, s7;
	s8 =	smax.u32 s8, $0x1  }
.LBB2_1:
0xe: {  	[tilespmem:s4], [sflag:$0x1] =	stream.linear.gather [hbm4b:s5+s4], $0x200, $0x38;
	[tilespmem:$0xE00] =	vst v63  }
0xf: {  	_ = 	snop  }
0x10: {  	[tilespmem:s9], [sflag:$0x1] =	stream.linear.gather [hbm4b:s1+s4], $0x400, $0x38;
	[tilespmem:$0xE00] =	vst v63  }
0x11: {  	_ = 	snop  }
0x12: {  	[tilespmem:s10], [sflag:$0x1] =	stream.linear.gather [hbm4b:s2+s4], $0x400, $0x38;
	[tilespmem:$0xE00] =	vst v63  }
0x13: {  	_ =	swait.ge [sflag:s11], $0x200  }
0x14: {  	[sflag:s11] =	ssyncset.done $0x0  }
0x15: {  	[sflag:s11] =	ssyncadd.s32 $0xFFFFFE00  }
0x16: {  	_ =	swait.ge [sflag:s11], $0x400  }
0x17: {  	[sflag:s11] =	ssyncset.done $0x0  }
0x18: {  	[sflag:s11] =	ssyncadd.s32 $0xFFFFFC00  }
0x19: {  	_ =	swait.ge [sflag:s11], $0x400  }
0x1a: {  	[sflag:s11] =	ssyncset.done $0x0  }
0x1b: {  	[sflag:s11] =	ssyncadd.s32 $0xFFFFFC00  }
0x1c: {  	v0 =	vld [tilespmem:$0x0];
	_ =	sdelay $0x7  }
0x1d: {  	v1 =	vld.idx.msk [tilespmem:v0+s9+$0x0], $0xffff;
	_ =	sdelay $0x3  }
0x1e: {  	v2 =	vld [tilespmem:$0x10]  }
0x1f: {  	[tilespmem:$0xA00] =	vst v1  }
0x20: {  	v0 =	vld.idx.msk [tilespmem:v0+s10+$0x0], $0xffff;
	_ =	sdelay $0x4  }
0x21: {  	[tilespmem:$0xC00] =	vst v0  }
0x22: {  	v0 =	vld.idx.msk [tilespmem:v2+s9+$0x0], $0xffff;
	_ =	sdelay $0x3  }
0x23: {  	v34 =	vld [tilespmem:$0x20]  }
0x24: {  	[tilespmem:$0xA10] =	vst v0  }
0x25: {  	v0 =	vld.idx.msk [tilespmem:v2+s10+$0x0], $0xffff;
	_ =	sdelay $0x4  }
0x26: {  	[tilespmem:$0xC10] =	vst v0  }
0x27: {  	v0 =	vld.idx.msk [tilespmem:v34+s9+$0x0], $0xffff;
	_ =	sdelay $0x3  }
0x28: {  	v35 =	vld [tilespmem:$0x30]  }
0x29: {  	[tilespmem:$0xA20] =	vst v0  }
0x2a: {  	v0 =	vld.idx.msk [tilespmem:v34+s10+$0x0], $0xffff;
	_ =	sdelay $0x4  }
0x2b: {  	[tilespmem:$0xC20] =	vst v0  }
0x2c: {  	v0 =	vld.idx.msk [tilespmem:v35+s9+$0x0], $0xffff;
	_ =	sdelay $0x3  }
0x2d: {  	v36 =	vld [tilespmem:$0x40]  }
0x2e: {  	[tilespmem:$0xA30] =	vst v0  }
0x2f: {  	v0 =	vld.idx.msk [tilespmem:v35+s10+$0x0], $0xffff;
	_ =	sdelay $0x4  }
0x30: {  	[tilespmem:$0xC30] =	vst v0  }
0x31: {  	v0 =	vld.idx.msk [tilespmem:v36+s9+$0x0], $0xffff;
	_ =	sdelay $0x3  }
0x32: {  	v37 =	vld [tilespmem:$0x50]  }
0x33: {  	[tilespmem:$0xA40] =	vst v0  }
0x34: {  	v0 =	vld.idx.msk [tilespmem:v36+s10+$0x0], $0xffff;
	_ =	sdelay $0x4  }
0x35: {  	[tilespmem:$0xC40] =	vst v0  }
0x36: {  	v0 =	vld.idx.msk [tilespmem:v37+s9+$0x0], $0xffff;
	_ =	sdelay $0x3  }
0x37: {  	v38 =	vld [tilespmem:$0x60]  }
0x38: {  	[tilespmem:$0xA50] =	vst v0  }
0x39: {  	v0 =	vld.idx.msk [tilespmem:v37+s10+$0x0], $0xffff;
	_ =	sdelay $0x4  }
0x3a: {  	[tilespmem:$0xC50] =	vst v0  }
0x3b: {  	v0 =	vld.idx.msk [tilespmem:v38+s9+$0x0], $0xffff;
	_ =	sdelay $0x3  }
0x3c: {  	v39 =	vld [tilespmem:$0x70]  }
0x3d: {  	[tilespmem:$0xA60] =	vst v0  }
0x3e: {  	v0 =	vld.idx.msk [tilespmem:v38+s10+$0x0], $0xffff;
	_ =	sdelay $0x4  }
0x3f: {  	[tilespmem:$0xC60] =	vst v0  }
0x40: {  	v0 =	vld.idx.msk [tilespmem:v39+s9+$0x0], $0xffff;
	_ =	sdelay $0x3  }
0x41: {  	v40 =	vld [tilespmem:$0x80]  }
0x42: {  	[tilespmem:$0xA70] =	vst v0  }
0x43: {  	v0 =	vld.idx.msk [tilespmem:v39+s10+$0x0], $0xffff;
	_ =	sdelay $0x4  }
0x44: {  	[tilespmem:$0xC70] =	vst v0  }
0x45: {  	v0 =	vld.idx.msk [tilespmem:v40+s9+$0x0], $0xffff;
	_ =	sdelay $0x3  }
0x46: {  	v41 =	vld [tilespmem:$0x90]  }
0x47: {  	[tilespmem:$0xA80] =	vst v0  }
0x48: {  	v0 =	vld.idx.msk [tilespmem:v40+s10+$0x0], $0xffff;
	_ =	sdelay $0x4  }
0x49: {  	[tilespmem:$0xC80] =	vst v0  }
0x4a: {  	v0 =	vld.idx.msk [tilespmem:v41+s9+$0x0], $0xffff;
	_ =	sdelay $0x3  }
0x4b: {  	v42 =	vld [tilespmem:$0xA0]  }
0x4c: {  	[tilespmem:$0xA90] =	vst v0  }
0x4d: {  	v0 =	vld.idx.msk [tilespmem:v41+s10+$0x0], $0xffff;
	_ =	sdelay $0x4  }
0x4e: {  	[tilespmem:$0xC90] =	vst v0  }
0x4f: {  	v0 =	vld.idx.msk [tilespmem:v42+s9+$0x0], $0xffff;
	_ =	sdelay $0x3  }
0x50: {  	v43 =	vld [tilespmem:$0xB0]  }
0x51: {  	[tilespmem:$0xAA0] =	vst v0  }
0x52: {  	v0 =	vld.idx.msk [tilespmem:v42+s10+$0x0], $0xffff;
	_ =	sdelay $0x4  }
0x53: {  	[tilespmem:$0xCA0] =	vst v0  }
0x54: {  	v0 =	vld.idx.msk [tilespmem:v43+s9+$0x0], $0xffff;
	_ =	sdelay $0x3  }
0x55: {  	v44 =	vld [tilespmem:$0xC0]  }
0x56: {  	[tilespmem:$0xAB0] =	vst v0  }
0x57: {  	v0 =	vld.idx.msk [tilespmem:v43+s10+$0x0], $0xffff;
	_ =	sdelay $0x4  }
0x58: {  	[tilespmem:$0xCB0] =	vst v0  }
0x59: {  	v0 =	vld.idx.msk [tilespmem:v44+s9+$0x0], $0xffff;
	_ =	sdelay $0x3  }
0x5a: {  	v45 =	vld [tilespmem:$0xD0]  }
0x5b: {  	[tilespmem:$0xAC0] =	vst v0  }
0x5c: {  	v0 =	vld.idx.msk [tilespmem:v44+s10+$0x0], $0xffff;
	_ =	sdelay $0x4  }
0x5d: {  	[tilespmem:$0xCC0] =	vst v0  }
0x5e: {  	v0 =	vld.idx.msk [tilespmem:v45+s9+$0x0], $0xffff;
	_ =	sdelay $0x3  }
0x5f: {  	v46 =	vld [tilespmem:$0xE0]  }
0x60: {  	[tilespmem:$0xAD0] =	vst v0  }
0x61: {  	v0 =	vld.idx.msk [tilespmem:v45+s10+$0x0], $0xffff;
	_ =	sdelay $0x4  }
0x62: {  	[tilespmem:$0xCD0] =	vst v0  }
0x63: {  	v0 =	vld.idx.msk [tilespmem:v46+s9+$0x0], $0xffff;
	_ =	sdelay $0x3  }
0x64: {  	v47 =	vld [tilespmem:$0xF0]  }
0x65: {  	[tilespmem:$0xAE0] =	vst v0  }
0x66: {  	v0 =	vld.idx.msk [tilespmem:v46+s10+$0x0], $0xffff;
	_ =	sdelay $0x4  }
0x67: {  	[tilespmem:$0xCE0] =	vst v0  }
0x68: {  	v0 =	vld.idx.msk [tilespmem:v47+s9+$0x0], $0xffff;
	_ =	sdelay $0x3  }
0x69: {  	v48 =	vld [tilespmem:$0x100]  }
0x6a: {  	[tilespmem:$0xAF0] =	vst v0  }
0x6b: {  	v0 =	vld.idx.msk [tilespmem:v47+s10+$0x0], $0xffff;
	_ =	sdelay $0x4  }
0x6c: {  	[tilespmem:$0xCF0] =	vst v0  }
0x6d: {  	v0 =	vld.idx.msk [tilespmem:v48+s9+$0x0], $0xffff;
	_ =	sdelay $0x3  }
0x6e: {  	v49 =	vld [tilespmem:$0x110]  }
0x6f: {  	[tilespmem:$0xB00] =	vst v0  }
0x70: {  	v0 =	vld.idx.msk [tilespmem:v48+s10+$0x0], $0xffff;
	_ =	sdelay $0x4  }
0x71: {  	[tilespmem:$0xD00] =	vst v0  }
0x72: {  	v0 =	vld.idx.msk [tilespmem:v49+s9+$0x0], $0xffff;
	_ =	sdelay $0x3  }
0x73: {  	v50 =	vld [tilespmem:$0x120]  }
0x74: {  	[tilespmem:$0xB10] =	vst v0  }
0x75: {  	v0 =	vld.idx.msk [tilespmem:v49+s10+$0x0], $0xffff;
	_ =	sdelay $0x4  }
0x76: {  	[tilespmem:$0xD10] =	vst v0  }
0x77: {  	v0 =	vld.idx.msk [tilespmem:v50+s9+$0x0], $0xffff;
	_ =	sdelay $0x3  }
0x78: {  	v51 =	vld [tilespmem:$0x130]  }
0x79: {  	[tilespmem:$0xB20] =	vst v0  }
0x7a: {  	v0 =	vld.idx.msk [tilespmem:v50+s10+$0x0], $0xffff;
	_ =	sdelay $0x4  }
0x7b: {  	[tilespmem:$0xD20] =	vst v0  }
0x7c: {  	v0 =	vld.idx.msk [tilespmem:v51+s9+$0x0], $0xffff;
	_ =	sdelay $0x3  }
0x7d: {  	v52 =	vld [tilespmem:$0x140]  }
0x7e: {  	[tilespmem:$0xB30] =	vst v0  }
0x7f: {  	v0 =	vld.idx.msk [tilespmem:v51+s10+$0x0], $0xffff;
	_ =	sdelay $0x4  }
0x80: {  	[tilespmem:$0xD30] =	vst v0  }
0x81: {  	v0 =	vld.idx.msk [tilespmem:v52+s9+$0x0], $0xffff;
	_ =	sdelay $0x3  }
0x82: {  	v53 =	vld [tilespmem:$0x150]  }
0x83: {  	[tilespmem:$0xB40] =	vst v0  }
0x84: {  	v0 =	vld.idx.msk [tilespmem:v52+s10+$0x0], $0xffff;
	_ =	sdelay $0x4  }
0x85: {  	[tilespmem:$0xD40] =	vst v0  }
0x86: {  	v0 =	vld.idx.msk [tilespmem:v53+s9+$0x0], $0xffff;
	_ =	sdelay $0x3  }
0x87: {  	v54 =	vld [tilespmem:$0x160]  }
0x88: {  	[tilespmem:$0xB50] =	vst v0  }
0x89: {  	v0 =	vld.idx.msk [tilespmem:v53+s10+$0x0], $0xffff;
	_ =	sdelay $0x4  }
0x8a: {  	[tilespmem:$0xD50] =	vst v0  }
0x8b: {  	v0 =	vld.idx.msk [tilespmem:v54+s9+$0x0], $0xffff;
	_ =	sdelay $0x3  }
0x8c: {  	v55 =	vld [tilespmem:$0x170]  }
0x8d: {  	[tilespmem:$0xB60] =	vst v0  }
0x8e: {  	v0 =	vld.idx.msk [tilespmem:v54+s10+$0x0], $0xffff;
	_ =	sdelay $0x4  }
0x8f: {  	[tilespmem:$0xD60] =	vst v0  }
0x90: {  	v0 =	vld.idx.msk [tilespmem:v55+s9+$0x0], $0xffff;
	_ =	sdelay $0x3  }
0x91: {  	v56 =	vld [tilespmem:$0x180]  }
0x92: {  	[tilespmem:$0xB70] =	vst v0  }
0x93: {  	v0 =	vld.idx.msk [tilespmem:v55+s10+$0x0], $0xffff;
	_ =	sdelay $0x4  }
0x94: {  	[tilespmem:$0xD70] =	vst v0  }
0x95: {  	v0 =	vld.idx.msk [tilespmem:v56+s9+$0x0], $0xffff;
	_ =	sdelay $0x3  }
0x96: {  	v57 =	vld [tilespmem:$0x190]  }
0x97: {  	[tilespmem:$0xB80] =	vst v0  }
0x98: {  	v0 =	vld.idx.msk [tilespmem:v56+s10+$0x0], $0xffff;
	_ =	sdelay $0x4  }
0x99: {  	[tilespmem:$0xD80] =	vst v0  }
0x9a: {  	v0 =	vld.idx.msk [tilespmem:v57+s9+$0x0], $0xffff;
	_ =	sdelay $0x3  }
0x9b: {  	v58 =	vld [tilespmem:$0x1A0]  }
0x9c: {  	[tilespmem:$0xB90] =	vst v0  }
0x9d: {  	v0 =	vld.idx.msk [tilespmem:v57+s10+$0x0], $0xffff;
	_ =	sdelay $0x4  }
0x9e: {  	[tilespmem:$0xD90] =	vst v0  }
0x9f: {  	v0 =	vld.idx.msk [tilespmem:v58+s9+$0x0], $0xffff;
	_ =	sdelay $0x3  }
0xa0: {  	v59 =	vld [tilespmem:$0x1B0]  }
0xa1: {  	[tilespmem:$0xBA0] =	vst v0  }
0xa2: {  	v0 =	vld.idx.msk [tilespmem:v58+s10+$0x0], $0xffff;
	_ =	sdelay $0x4  }
0xa3: {  	[tilespmem:$0xDA0] =	vst v0  }
0xa4: {  	v0 =	vld.idx.msk [tilespmem:v59+s9+$0x0], $0xffff;
	_ =	sdelay $0x3  }
0xa5: {  	v60 =	vld [tilespmem:$0x1C0]  }
0xa6: {  	[tilespmem:$0xBB0] =	vst v0  }
0xa7: {  	v0 =	vld.idx.msk [tilespmem:v59+s10+$0x0], $0xffff;
	_ =	sdelay $0x4  }
0xa8: {  	[tilespmem:$0xDB0] =	vst v0  }
0xa9: {  	v0 =	vld.idx.msk [tilespmem:v60+s9+$0x0], $0xffff;
	_ =	sdelay $0x3  }
0xaa: {  	v61 =	vld [tilespmem:$0x1D0]  }
0xab: {  	[tilespmem:$0xBC0] =	vst v0  }
0xac: {  	v0 =	vld.idx.msk [tilespmem:v60+s10+$0x0], $0xffff;
	_ =	sdelay $0x4  }
0xad: {  	[tilespmem:$0xDC0] =	vst v0  }
0xae: {  	v0 =	vld.idx.msk [tilespmem:v61+s9+$0x0], $0xffff;
	_ =	sdelay $0x3  }
0xaf: {  	v62 =	vld [tilespmem:$0x1E0]  }
0xb0: {  	[tilespmem:$0xBD0] =	vst v0  }
0xb1: {  	v0 =	vld.idx.msk [tilespmem:v61+s10+$0x0], $0xffff;
	_ =	sdelay $0x4  }
0xb2: {  	[tilespmem:$0xDD0] =	vst v0  }
0xb3: {  	v0 =	vld.idx.msk [tilespmem:v62+s9+$0x0], $0xffff;
	_ =	sdelay $0x3  }
0xb4: {  	v63 =	vld [tilespmem:$0x1F0]  }
0xb5: {  	[tilespmem:$0xBE0] =	vst v0  }
0xb6: {  	v0 =	vld.idx.msk [tilespmem:v62+s10+$0x0], $0xffff;
	_ =	sdelay $0x4  }
0xb7: {  	[tilespmem:$0xDE0] =	vst v0  }
0xb8: {  	v0 =	vld.idx.msk [tilespmem:v63+s9+$0x0], $0xffff;
	_ =	sdelay $0x4  }
0xb9: {  	[tilespmem:$0xBF0] =	vst v0  }
0xba: {  	v0 =	vld.idx.msk [tilespmem:v63+s10+$0x0], $0xffff;
	_ =	sdelay $0x4  }
0xbb: {  	[tilespmem:$0xDF0] =	vst v0  }
0xbc: {  	[hbm4b:s6+s4] =	stream.linear.scatter [tilespmem:s12], [sflag:$0x1], $0x200, $0x38;
	[tilespmem:$0xE00] =	vst v63  }
0xbd: {  	_ = 	snop  }
0xbe: {  	[hbm4b:s7+s4] =	stream.linear.scatter [tilespmem:s13], [sflag:$0x1], $0x200, $0x38;
	[tilespmem:$0xE00] =	vst v63  }
0xbf: {  	p0 =	sne.s32 s8, $0x1;
	_ =	swait.ge [sflag:s11], $0x200  }
.Ltmp0:
0xc0: {  	[sflag:s11] =	ssyncset.done $0x0;
	(pc) =	sbr.rel @p0 .LBB2_1-.Ltmp0, $4  }
0xc1: {  	[sflag:s11] =	ssyncadd.s32 $0xFFFFFE00  }
0xc2: {  	_ =	swait.ge [sflag:s11], $0x200  }
0xc3: {  	[sflag:s11] =	ssyncset.done $0x0  }
0xc4: {  	s8 =	sadd.s32 $0xFFFFFFFF, s8;
	[sflag:s11] =	ssyncadd.s32 $0xFFFFFE00  }
0xc5: {  	_ =	sfence.sel $0x180000  }
0xc6: {  	[bflag:$0x0] =	sbarrier.arrive $0xFFFF  }
0xc7: {  	p0 =	sne.s32 s3, $0x0;
	_ =	strace $0x90000047  }
0xc8: {  	s0 =	sadd.s32 @!p0 $0x100000, s0;
	[bflag:$0x2] =	sbarrier.arrive $0xFFFF  }
0xc9: {  	[sflag:s0] =	ssyncadd.tile.s32 @!p0 $0x1;
	_ =	shalt  }
.Lfunc_end2:
_tile_overlayer_lowered:
.L_overlay_start_2:
0xca: {  	(tag) =	ssettag $0x2  }
0xcb: {  	s0 =	rddreg [dreg:$0x0];
	s2 =	stileid.u32  }
0xcc: {  	s1 =	rddreg [dreg:$0x1];
	p0 =	sne.s32 s2, $0x0  }
0xcd: {  	s3 =	rddreg [dreg:$0x2];
	[bflag:$0x3] =	sbarrier.arrive $0xFFFF;
	s2 =	simm.s32 @!p0 $0x1C02  }
0xce: {  	[timem:s3], [sflag:s2] =	dma.local @!p0 [hbm:s0], s1  }
0xcf: {  	s0 =	simm.s32 @!p0 $0x2  }
0xd0: {  	_ =	swait.ge @!p0 [sflag:s0], s1  }
0xd1: {  	s1 =	ssub.s32 @!p0 $0x0, s1;
	[sflag:s0] =	ssyncset.done @!p0 $0x0  }
0xd2: {  	[sflag:s0] =	ssyncadd.s32 @!p0 s1  }
0xd3: {  	[bflag:$0x3] =	sbarrier.arrive $0xFFFF  }
0xd4: {  	_ =	shalt  }

</sc_bundles>
